<compile_context>
chip_gen: v7x
topology: tpu7x:2x2x1
jax: 0.10.2.dev20260603
libtpu: 0.0.44.dev20260713+nightly
codegen_flags: <defaults>
</compile_context>

<pallas_src>
import functools

import jax
import jax.numpy as jnp
from jax import lax
from jax.experimental import pallas as pl
from jax.experimental.pallas import tpu as pltpu
from jax.experimental.pallas import tpu_sc as plsc

_NC = 2
_NS = 16
_NW = _NC * _NS
_K = 128


def _sc_segment_sum(h, srcm, dstm, zrows):
    n, d = h.shape
    _, ch, _, k = srcm.shape
    nr = zrows.shape[0]
    zr = nr // _NS

    mesh = plsc.VectorSubcoreMesh(core_axis_name="c", subcore_axis_name="s")

    @functools.partial(
        pl.kernel,
        mesh=mesh,
        out_type=jax.ShapeDtypeStruct((_NC, nr, d), jnp.float32),
        scratch_types=[
            pltpu.VMEM((1, k), jnp.int32),
            pltpu.VMEM((1, k), jnp.int32),
            pltpu.VMEM((1, k), jnp.int32),
            pltpu.VMEM((1, k), jnp.int32),
            pltpu.VMEM((1, k), jnp.int32),
            pltpu.VMEM((1, k), jnp.int32),
            pltpu.VMEM((k, d), jnp.float32),
            pltpu.VMEM((k, d), jnp.float32),
            pltpu.VMEM((k, d), jnp.float32),
            pltpu.VMEM_SHARED((nr, d), jnp.float32),
        ] + [pltpu.SemaphoreType.DMA] * 12,
    )
    def agg(h_hbm, srcm_hbm, dstm_hbm, z_hbm, out_hbm,
            s0, s1, s2, t0, t1, t2, r0, r1, r2, acc, *sems):
        c = lax.axis_index("c")
        s = lax.axis_index("s")
        wid = c * _NS + s
        sb = (s0, s1, s2)
        tb = (t0, t1, t2)
        rb_ = (r0, r1, r2)
        gsem = sems[0:3]
        ssem = sems[3:6]
        sisem = sems[6:9]
        tisem = sems[9:12]
        pltpu.sync_copy(z_hbm.at[pl.ds(s * zr, zr)], acc.at[pl.ds(s * zr, zr)])
        plsc.subcore_barrier()

        def start_sidx(j, b):
            pltpu.make_async_copy(srcm_hbm.at[wid, j], sb[b], sisem[b]).start()

        def wait_sidx(j, b):
            pltpu.make_async_copy(srcm_hbm.at[wid, j], sb[b], sisem[b]).wait()

        def start_tidx(j, b):
            pltpu.make_async_copy(dstm_hbm.at[wid, j], tb[b], tisem[b]).start()

        def wait_tidx(j, b):
            pltpu.make_async_copy(dstm_hbm.at[wid, j], tb[b], tisem[b]).wait()

        def start_g(b):
            pltpu.make_async_copy(h_hbm.at[sb[b].at[0]], rb_[b], gsem[b]).start()

        def wait_g(b):
            pltpu.make_async_copy(h_hbm.at[sb[b].at[0]], rb_[b], gsem[b]).wait()

        def start_s(b):
            pltpu.async_copy(rb_[b], acc.at[tb[b].at[0]], ssem[b], add=True)

        def wait_s(b):
            pltpu.make_async_copy(rb_[b], acc.at[tb[b].at[0]], ssem[b]).wait()

        start_sidx(0, 0)
        if ch > 1:
            start_sidx(1, 1)
        start_tidx(0, 0)

        def step(q3, j):
            b = j % 3
            bm1 = (j - 1) % 3
            bm2 = (j - 2) % 3
            jt = q3 + j

            @pl.when((jt >= 2) & (jt - 2 < ch))
            def _():
                wait_s(bm2)

            @pl.when(jt + 1 < ch)
            def _():
                start_tidx(jt + 1, (j + 1) % 3)

            @pl.when(jt < ch)
            def _():
                wait_sidx(jt, b)
                start_g(b)

            @pl.when((jt >= 1) & (jt - 1 < ch))
            def _():
                wait_g(bm1)
                wait_tidx(jt - 1, bm1)
                start_s(bm1)

            @pl.when(jt + 2 < ch)
            def _():
                start_sidx(jt + 2, (j + 2) % 3)

        n_outer = -(-(ch + 2) // 3)

        def outer(q, carry):
            q3 = 3 * q
            step(q3, 0)
            step(q3, 1)
            step(q3, 2)
            return carry

        lax.fori_loop(0, n_outer, outer, 0)

        plsc.subcore_barrier()
        pltpu.sync_copy(acc.at[pl.ds(s * zr, zr)],
                        out_hbm.at[c, pl.ds(s * zr, zr)])

    return agg(h, srcm, dstm, zrows)


def _tc_linear(parts, w, b2d, rb):
    _, n, d = parts.shape
    nblk = n // rb

    def body(p_ref, w_ref, b_ref, o_ref):
        a = (p_ref[0] + p_ref[1]).astype(jnp.bfloat16)
        wb = w_ref[...].astype(jnp.bfloat16)
        o_ref[...] = jnp.maximum(
            jnp.dot(a, wb, preferred_element_type=jnp.float32)
            + b_ref[...], 0.0)

    return pl.pallas_call(
        body,
        grid=(nblk,),
        in_specs=[
            pl.BlockSpec((2, rb, d), lambda i: (0, i, 0)),
            pl.BlockSpec((d, d), lambda i: (0, 0)),
            pl.BlockSpec((1, d), lambda i: (0, 0)),
        ],
        out_specs=pl.BlockSpec((rb, d), lambda i: (i, 0)),
        out_shape=jax.ShapeDtypeStruct((n, d), jnp.float32),
    )(parts, w, b2d)


def _tc_readout(parts, w2, b2d, gid3, tid2, wout2, bout2, rb, n):
    _, _, d = parts.shape
    nblk = n // rb
    b = tid2.shape[0]

    def body(p_ref, w2_ref, b2_ref, gid_ref, tid_ref, w_ref, bo_ref, o_ref,
             sums, tsums, counts):
        i = pl.program_id(0)

        @pl.when(i == 0)
        def _():
            sums[...] = jnp.zeros_like(sums)
            tsums[...] = jnp.zeros_like(tsums)
            counts[...] = jnp.zeros_like(counts)

        a = (p_ref[0] + p_ref[1]).astype(jnp.bfloat16)
        wb2 = w2_ref[...].astype(jnp.bfloat16)
        rows = jnp.maximum(
            jnp.dot(a, wb2, preferred_element_type=jnp.float32)
            + b2_ref[...], 0.0)
        ids = gid_ref[0]
        onehot = (lax.broadcasted_iota(jnp.int32, (b, rb), 0)
                  == ids).astype(jnp.float32)
        sums[...] += jnp.dot(onehot, rows, preferred_element_type=jnp.float32,
                           precision=lax.Precision.HIGHEST)
        counts[...] += jnp.sum(onehot, axis=1, keepdims=True)
        rowids = i * rb + lax.broadcasted_iota(jnp.int32, (b, rb), 1)
        tmask = (tid_ref[...] == rowids).astype(jnp.float32)
        tsums[...] += jnp.dot(tmask, rows, preferred_element_type=jnp.float32,
                            precision=lax.Precision.HIGHEST)

        @pl.when(i == pl.num_programs(0) - 1)
        def _():
            ge = sums[...] / jnp.maximum(counts[...], 1.0)
            ge = ge.astype(jnp.bfloat16).astype(jnp.float32)
            te = tsums[...].astype(jnp.bfloat16).astype(jnp.float32)
            wb = w_ref[...].astype(jnp.bfloat16).astype(jnp.float32)
            logits = (jnp.sum(ge * wb[0:1, :], axis=1, keepdims=True)
                      + jnp.sum(te * wb[1:2, :], axis=1,
                                keepdims=True)
                      + bo_ref[...])
            o_ref[...] = 1.0 / (1.0 + jnp.exp(-logits))

    return pl.pallas_call(
        body,
        grid=(nblk,),
        in_specs=[
            pl.BlockSpec((2, rb, d), lambda i: (0, i, 0)),
            pl.BlockSpec((d, d), lambda i: (0, 0)),
            pl.BlockSpec((1, d), lambda i: (0, 0)),
            pl.BlockSpec((1, 1, rb), lambda i: (i, 0, 0)),
            pl.BlockSpec((b, 1), lambda i: (0, 0)),
            pl.BlockSpec((2, d), lambda i: (0, 0)),
            pl.BlockSpec((1, 1), lambda i: (0, 0)),
        ],
        out_specs=pl.BlockSpec((b, 1), lambda i: (0, 0)),
        out_shape=jax.ShapeDtypeStruct((b, 1), jnp.float32),
        scratch_shapes=[
            pltpu.VMEM((b, d), jnp.float32),
            pltpu.VMEM((b, d), jnp.float32),
            pltpu.VMEM((b, 1), jnp.float32),
        ],
    )(parts, w2, b2d, gid3, tid2, wout2, bout2)


def kernel(x, edge_index, graph_ids, target_idx, W1, b1, W2, b2, Wout, bout):
    n, d = x.shape
    e = edge_index.shape[1]
    b = target_idx.shape[0]

    ch = -(-e // (_NW * _K))
    if ch % 2 == 0:
        ch += 1
    pad = _NW * ch * _K - e
    src = jnp.concatenate([edge_index[0], jnp.zeros((pad,), jnp.int32)])
    dst = jnp.concatenate([edge_index[1], jnp.full((pad,), n, jnp.int32)])
    srcm = src.reshape(_NW, ch, 1, _K)
    dstm = dst.reshape(_NW, ch, 1, _K)
    nr = -(-(n + 1) // (_NS * 8)) * (_NS * 8)
    zrows = jnp.zeros((nr, d), jnp.float32)

    b1r = b1.reshape(1, d)
    b2r = b2.reshape(1, d)
    wout2 = Wout.reshape(2, d)
    bout2 = bout.reshape(1, 1)
    rb = 1000
    gid3 = graph_ids.reshape(n // rb, 1, rb)
    tid2 = target_idx.reshape(b, 1)

    p1 = _sc_segment_sum(x, srcm, dstm, zrows)
    h1 = _tc_linear(p1, W1, b1r, rb)
    p2 = _sc_segment_sum(h1, srcm, dstm, zrows)
    return _tc_readout(p2, W2, b2r, gid3, tid2, wout2, bout2, rb, n)

# --- scband reference (transcript-rebuilt; emitter-appended) ---
"""Pipeline reference for scband-gnn-binary-51977694216670 (READ-ONLY COPY).

The authoritative reference and input builder live on the scoring server;
editing this copy changes nothing except your own understanding.
"""

import jax, jax.numpy as jnp
import numpy as np

N = 10000   # total nodes across graph_list
E = 320000  # total edges
D = 128     # latent_dim / d_feat
B = 64      # number of graphs in graph_list


def setup_inputs(seed: int = 0) -> dict:
    key = jax.random.key(seed)
    ks = jax.random.split(key, 12)
    x = jax.random.normal(ks[0], (N, D), dtype=jnp.float32)
    edge_index = jax.random.randint(ks[1], (2, E), 0, N, dtype=jnp.int32)
    graph_ids = jnp.sort(jax.random.randint(ks[2], (N,), 0, B, dtype=jnp.int32))
    target_idx = jax.random.randint(ks[3], (B,), 0, N, dtype=jnp.int32)
    scale = 1.0 / np.sqrt(D)
    W1 = jax.random.normal(ks[4], (D, D), dtype=jnp.float32) * scale
    b1 = jnp.zeros((D,), dtype=jnp.float32)
    W2 = jax.random.normal(ks[5], (D, D), dtype=jnp.float32) * scale
    b2 = jnp.zeros((D,), dtype=jnp.float32)
    Wout = jax.random.normal(ks[6], (2 * D, 1), dtype=jnp.float32) * (1.0 / np.sqrt(2 * D))
    bout = jnp.zeros((1,), dtype=jnp.float32)
    return {"x": x, "edge_index": edge_index, "graph_ids": graph_ids,
            "target_idx": target_idx, "W1": W1, "b1": b1, "W2": W2, "b2": b2,
            "Wout": Wout, "bout": bout}


def reference(x, edge_index, graph_ids, target_idx, W1, b1, W2, b2, Wout, bout):
    src = edge_index[0]
    dst = edge_index[1]
    # --- GNN message passing (2 layers), batched graphs flattened ---
    h = x
    msg = jnp.take(h, src, axis=0)
    agg = jax.ops.segment_sum(msg, dst, num_segments=N)
    h = jax.nn.relu(agg @ W1 + b1)
    msg = jnp.take(h, src, axis=0)
    agg = jax.ops.segment_sum(msg, dst, num_segments=N)
    h = jax.nn.relu(agg @ W2 + b2)
    node_embed = h
    # --- graph-level embedding: mean pool per graph ---
    sums = jax.ops.segment_sum(node_embed, graph_ids, num_segments=B)
    counts = jax.ops.segment_sum(jnp.ones((N, 1), dtype=jnp.float32), graph_ids, num_segments=B)
    graph_embed = sums / jnp.maximum(counts, 1.0)
    # --- select target node per graph (node_sel in original forward) ---
    target_embed = jnp.take(node_embed, target_idx, axis=0)
    # --- out_classifier: Linear(2*latent_dim -> 1), then sigmoid ---
    logits = jnp.concatenate([graph_embed, target_embed], axis=1) @ Wout + bout
    prob = jax.nn.sigmoid(logits)
    return prob

if __name__ == "__main__":
    import jax
    _d = setup_inputs()
    print(jax.jit(kernel)(*tuple(_d.values())))

</pallas_src>

<mosaic_0001>
#map = affine_map<(d0, d1) -> (0, 0)>
#map1 = affine_map<(d0, d1) -> (0, 0, 0, 0)>
#map2 = affine_map<(d0, d1) -> (0, 0, 0)>
module attributes {stable_mosaic.version = 14 : i64} {
  func.func @agg(%arg0: i32, %arg1: i32, %arg2: memref<10000x128xf32, #tpu.memory_space<hbm>>, %arg3: memref<32x79x1x128xi32, #tpu.memory_space<hbm>>, %arg4: memref<32x79x1x128xi32, #tpu.memory_space<hbm>>, %arg5: memref<10112x128xf32, #tpu.memory_space<hbm>>, %arg6: memref<2x10112x128xf32, #tpu.memory_space<hbm>>, %arg7: memref<1x128xi32, #tpu.memory_space<vmem>>, %arg8: memref<1x128xi32, #tpu.memory_space<vmem>>, %arg9: memref<1x128xi32, #tpu.memory_space<vmem>>, %arg10: memref<1x128xi32, #tpu.memory_space<vmem>>, %arg11: memref<1x128xi32, #tpu.memory_space<vmem>>, %arg12: memref<1x128xi32, #tpu.memory_space<vmem>>, %arg13: memref<128x128xf32, #tpu.memory_space<vmem>>, %arg14: memref<128x128xf32, #tpu.memory_space<vmem>>, %arg15: memref<128x128xf32, #tpu.memory_space<vmem>>, %arg16: memref<10112x128xf32, #tpu.memory_space<vmem_shared>>, %arg17: memref<!tpu.dma_semaphore, #tpu.memory_space<semaphore_mem>>, %arg18: memref<!tpu.dma_semaphore, #tpu.memory_space<semaphore_mem>>, %arg19: memref<!tpu.dma_semaphore, #tpu.memory_space<semaphore_mem>>, %arg20: memref<!tpu.dma_semaphore, #tpu.memory_space<semaphore_mem>>, %arg21: memref<!tpu.dma_semaphore, #tpu.memory_space<semaphore_mem>>, %arg22: memref<!tpu.dma_semaphore, #tpu.memory_space<semaphore_mem>>, %arg23: memref<!tpu.dma_semaphore, #tpu.memory_space<semaphore_mem>>, %arg24: memref<!tpu.dma_semaphore, #tpu.memory_space<semaphore_mem>>, %arg25: memref<!tpu.dma_semaphore, #tpu.memory_space<semaphore_mem>>, %arg26: memref<!tpu.dma_semaphore, #tpu.memory_space<semaphore_mem>>, %arg27: memref<!tpu.dma_semaphore, #tpu.memory_space<semaphore_mem>>, %arg28: memref<!tpu.dma_semaphore, #tpu.memory_space<semaphore_mem>>) attributes {dimension_semantics = [#tpu.dimension_semantics<core_parallel>, #tpu.dimension_semantics<subcore_parallel>], iteration_bounds = array<i64: 2, 16>, scalar_prefetch = 0 : i64, scratch_operands = 22 : i64, tpu.core_type = #tpu.core_type<sc_vector_subcore>, window_params = [{transform_indices = #map}, {transform_indices = #map1}, {transform_indices = #map1}, {transform_indices = #map}, {transform_indices = #map2}]} {
    %mul3A = arith.constant 16 : i32
    %mul3A_0 = arith.muli %arg0, %mul3A : i32
    %add3A = arith.addi %mul3A_0, %arg1 : i32
    %mul3A_1 = arith.constant 632 : i32
    %mul3A_2 = arith.muli %arg1, %mul3A_1 : i32
    %mul3A_3 = arith.constant 632 : i32
    %mul3A_4 = arith.muli %arg1, %mul3A_3 : i32
    "tpu.region"() ({
      %run_scoped3A = tpu.sem_alloc : memref<!tpu.dma_semaphore, #tpu.memory_space<semaphore_mem>>
      %dma_start3A_41 = arith.constant 0 : i32
      %dma_start3A_42 = tpu.memref_slice %arg16[%mul3A_4, %dma_start3A_41] : memref<10112x128xf32, #tpu.memory_space<vmem_shared>> -> memref<632x128xf32, #tpu.memory_space<vmem_shared>>
      %dma_start3A_43 = arith.constant 0 : i32
      %dma_start3A_44 = tpu.memref_slice %arg5[%mul3A_2, %dma_start3A_43] : memref<10112x128xf32, #tpu.memory_space<hbm>> -> memref<632x128xf32, #tpu.memory_space<hbm>>
      tpu.enqueue_dma source(%dma_start3A_44 : memref<632x128xf32, #tpu.memory_space<hbm>>) target(%dma_start3A_42 : memref<632x128xf32, #tpu.memory_space<vmem_shared>>) target_semaphore(%run_scoped3A : memref<!tpu.dma_semaphore, #tpu.memory_space<semaphore_mem>>)
      %dma_wait3A = arith.constant 0 : i32
      %dma_wait3A_45 = tpu.memref_slice %arg16[%mul3A_4, %dma_wait3A] : memref<10112x128xf32, #tpu.memory_space<vmem_shared>> -> memref<632x128xf32, #tpu.memory_space<vmem_shared>>
      %dma_wait3A_46 = arith.constant 0 : i32
      %dma_wait3A_47 = tpu.memref_slice %arg5[%mul3A_2, %dma_wait3A_46] : memref<10112x128xf32, #tpu.memory_space<hbm>> -> memref<632x128xf32, #tpu.memory_space<hbm>>
      tpu.wait_dma2 semaphore(%run_scoped3A : memref<!tpu.dma_semaphore, #tpu.memory_space<semaphore_mem>>) src(%dma_wait3A_47 : memref<632x128xf32, #tpu.memory_space<hbm>>) dst(%dma_wait3A_45 : memref<632x128xf32, #tpu.memory_space<vmem_shared>>)
      tpu.yield
    }) : () -> ()
    %barrier3A = arith.constant 0 : index
    tpu.barrier barrier_id(%barrier3A)
    %dma_start3A = arith.constant 0 : i32
    %dma_start3A_5 = arith.constant 0 : i32
    %dma_start3A_6 = arith.constant 0 : i32
    %dma_start3A_7 = tpu.memref_slice %arg3[%add3A, %dma_start3A, %dma_start3A_5, %dma_start3A_6] : memref<32x79x1x128xi32, #tpu.memory_space<hbm>> -> memref<1x1x1x128xi32, #tpu.memory_space<hbm>>
    %dma_start3A_8 = tpu.memref_squeeze %dma_start3A_7 : memref<1x1x1x128xi32, #tpu.memory_space<hbm>> -> memref<1x128xi32, #tpu.memory_space<hbm>>
    %dma_start3A_9 = arith.constant 0 : i32
    %dma_start3A_10 = arith.constant 0 : i32
    %dma_start3A_11 = tpu.memref_slice %arg3[%add3A, %dma_start3A, %dma_start3A_9, %dma_start3A_10] : memref<32x79x1x128xi32, #tpu.memory_space<hbm>> -> memref<1x1x1x128xi32, #tpu.memory_space<hbm>>
    %dma_start3A_12 = tpu.memref_squeeze %dma_start3A_11 : memref<1x1x1x128xi32, #tpu.memory_space<hbm>> -> memref<1x128xi32, #tpu.memory_space<hbm>>
    tpu.enqueue_dma source(%dma_start3A_12 : memref<1x128xi32, #tpu.memory_space<hbm>>) target(%arg7 : memref<1x128xi32, #tpu.memory_space<vmem>>) target_semaphore(%arg23 : memref<!tpu.dma_semaphore, #tpu.memory_space<semaphore_mem>>)
    %dma_start3A_13 = arith.constant 1 : i32
    %dma_start3A_14 = arith.constant 0 : i32
    %dma_start3A_15 = arith.constant 0 : i32
    %dma_start3A_16 = tpu.memref_slice %arg3[%add3A, %dma_start3A_13, %dma_start3A_14, %dma_start3A_15] : memref<32x79x1x128xi32, #tpu.memory_space<hbm>> -> memref<1x1x1x128xi32, #tpu.memory_space<hbm>>
    %dma_start3A_17 = tpu.memref_squeeze %dma_start3A_16 : memref<1x1x1x128xi32, #tpu.memory_space<hbm>> -> memref<1x128xi32, #tpu.memory_space<hbm>>
    %dma_start3A_18 = arith.constant 0 : i32
    %dma_start3A_19 = arith.constant 0 : i32
    %dma_start3A_20 = tpu.memref_slice %arg3[%add3A, %dma_start3A_13, %dma_start3A_18, %dma_start3A_19] : memref<32x79x1x128xi32, #tpu.memory_space<hbm>> -> memref<1x1x1x128xi32, #tpu.memory_space<hbm>>
    %dma_start3A_21 = tpu.memref_squeeze %dma_start3A_20 : memref<1x1x1x128xi32, #tpu.memory_space<hbm>> -> memref<1x128xi32, #tpu.memory_space<hbm>>
    tpu.enqueue_dma source(%dma_start3A_21 : memref<1x128xi32, #tpu.memory_space<hbm>>) target(%arg8 : memref<1x128xi32, #tpu.memory_space<vmem>>) target_semaphore(%arg24 : memref<!tpu.dma_semaphore, #tpu.memory_space<semaphore_mem>>)
    %dma_start3A_22 = arith.constant 0 : i32
    %dma_start3A_23 = arith.constant 0 : i32
    %dma_start3A_24 = arith.constant 0 : i32
    %dma_start3A_25 = tpu.memref_slice %arg4[%add3A, %dma_start3A_22, %dma_start3A_23, %dma_start3A_24] : memref<32x79x1x128xi32, #tpu.memory_space<hbm>> -> memref<1x1x1x128xi32, #tpu.memory_space<hbm>>
    %dma_start3A_26 = tpu.memref_squeeze %dma_start3A_25 : memref<1x1x1x128xi32, #tpu.memory_space<hbm>> -> memref<1x128xi32, #tpu.memory_space<hbm>>
    %dma_start3A_27 = arith.constant 0 : i32
    %dma_start3A_28 = arith.constant 0 : i32
    %dma_start3A_29 = tpu.memref_slice %arg4[%add3A, %dma_start3A_22, %dma_start3A_27, %dma_start3A_28] : memref<32x79x1x128xi32, #tpu.memory_space<hbm>> -> memref<1x1x1x128xi32, #tpu.memory_space<hbm>>
    %dma_start3A_30 = tpu.memref_squeeze %dma_start3A_29 : memref<1x1x1x128xi32, #tpu.memory_space<hbm>> -> memref<1x128xi32, #tpu.memory_space<hbm>>
    tpu.enqueue_dma source(%dma_start3A_30 : memref<1x128xi32, #tpu.memory_space<hbm>>) target(%arg10 : memref<1x128xi32, #tpu.memory_space<vmem>>) target_semaphore(%arg26 : memref<!tpu.dma_semaphore, #tpu.memory_space<semaphore_mem>>)
    %scan3A = arith.constant 0 : i32
    %scan3A_31 = arith.constant 0 : i32
    %scan3A_32 = arith.constant 27 : i32
    %scan3A_33 = arith.addi %scan3A_31, %scan3A_32 : i32
    %scan3A_34 = arith.constant 1 : i32
    scf.for %scan3A_41 = %scan3A_31 to %scan3A_33 step %scan3A_34  : i32 {
      %mul3A_42 = arith.constant 3 : i32
      %mul3A_43 = arith.muli %mul3A_42, %scan3A_41 : i32
      %add3A_44 = arith.constant 0 : i32
      %add3A_45 = arith.addi %mul3A_43, %add3A_44 : i32
      %ge3A = arith.constant 2 : i32
      %ge3A_46 = arith.cmpi sge, %add3A_45, %ge3A : i32
      %sub3A = arith.constant 2 : i32
      %sub3A_47 = arith.subi %add3A_45, %sub3A : i32
      %lt3A = arith.constant 79 : i32
      %lt3A_48 = arith.cmpi slt, %sub3A_47, %lt3A : i32
      %and3A = arith.andi %ge3A_46, %lt3A_48 : i1
      %convert_element_type3A = arith.extui %and3A : i1 to i32
      %cond3A = arith.constant 0 : i32
      %cond3A_49 = arith.cmpi ne, %convert_element_type3A, %cond3A : i32
      scf.if %cond3A_49 {
        %dma_wait3A = arith.constant 0 : i32
        %dma_wait3A_161 = arith.constant 0 : i32
        %dma_wait3A_162 = tpu.memref_slice %arg11[%dma_wait3A, %dma_wait3A_161] : memref<1x128xi32, #tpu.memory_space<vmem>> -> memref<1x128xi32, #tpu.memory_space<vmem>>
        %dma_wait3A_163 = tpu.memref_squeeze %dma_wait3A_162 : memref<1x128xi32, #tpu.memory_space<vmem>> -> memref<128xi32, #tpu.memory_space<vmem>>
        %dma_wait3A_164 = arith.constant 0 : i32
        %dma_wait3A_165 = arith.constant 0 : i32
        %dma_wait3A_166 = tpu.memref_slice %arg16[%dma_wait3A_164, %dma_wait3A_165] : memref<10112x128xf32, #tpu.memory_space<vmem_shared>> -> memref<10112x128xf32, #tpu.memory_space<vmem_shared>>
        tpu.wait_indirect_dma semaphore(%arg21 : memref<!tpu.dma_semaphore, #tpu.memory_space<semaphore_mem>>) src(%arg14 : memref<128x128xf32, #tpu.memory_space<vmem>>) dst(%dma_wait3A_166 : memref<10112x128xf32, #tpu.memory_space<vmem_shared>>)
      } else {
      }
      %add3A_50 = arith.constant 1 : i32
      %add3A_51 = arith.addi %add3A_45, %add3A_50 : i32
      %lt3A_52 = arith.constant 79 : i32
      %lt3A_53 = arith.cmpi slt, %add3A_51, %lt3A_52 : i32
      %convert_element_type3A_54 = arith.extui %lt3A_53 : i1 to i32
      %cond3A_55 = arith.constant 0 : i32
      %cond3A_56 = arith.cmpi ne, %convert_element_type3A_54, %cond3A_55 : i32
      scf.if %cond3A_56 {
        %add3A_161 = arith.constant 1 : i32
        %add3A_162 = arith.addi %add3A_45, %add3A_161 : i32
        %dma_start3A_163 = arith.constant 0 : i32
        %dma_start3A_164 = arith.constant 0 : i32
        %dma_start3A_165 = tpu.memref_slice %arg4[%add3A, %add3A_162, %dma_start3A_163, %dma_start3A_164] : memref<32x79x1x128xi32, #tpu.memory_space<hbm>> -> memref<1x1x1x128xi32, #tpu.memory_space<hbm>>
        %dma_start3A_166 = tpu.memref_squeeze %dma_start3A_165 : memref<1x1x1x128xi32, #tpu.memory_space<hbm>> -> memref<1x128xi32, #tpu.memory_space<hbm>>
        %dma_start3A_167 = arith.constant 0 : i32
        %dma_start3A_168 = arith.constant 0 : i32
        %dma_start3A_169 = tpu.memref_slice %arg4[%add3A, %add3A_162, %dma_start3A_167, %dma_start3A_168] : memref<32x79x1x128xi32, #tpu.memory_space<hbm>> -> memref<1x1x1x128xi32, #tpu.memory_space<hbm>>
        %dma_start3A_170 = tpu.memref_squeeze %dma_start3A_169 : memref<1x1x1x128xi32, #tpu.memory_space<hbm>> -> memref<1x128xi32, #tpu.memory_space<hbm>>
        tpu.enqueue_dma source(%dma_start3A_170 : memref<1x128xi32, #tpu.memory_space<hbm>>) target(%arg11 : memref<1x128xi32, #tpu.memory_space<vmem>>) target_semaphore(%arg27 : memref<!tpu.dma_semaphore, #tpu.memory_space<semaphore_mem>>)
      } else {
      }
      %lt3A_57 = arith.constant 79 : i32
      %lt3A_58 = arith.cmpi slt, %add3A_45, %lt3A_57 : i32
      %convert_element_type3A_59 = arith.extui %lt3A_58 : i1 to i32
      %cond3A_60 = arith.constant 0 : i32
      %cond3A_61 = arith.cmpi ne, %convert_element_type3A_59, %cond3A_60 : i32
      scf.if %cond3A_61 {
        %dma_wait3A = arith.constant 0 : i32
        %dma_wait3A_161 = arith.constant 0 : i32
        %dma_wait3A_162 = tpu.memref_slice %arg3[%add3A, %add3A_45, %dma_wait3A, %dma_wait3A_161] : memref<32x79x1x128xi32, #tpu.memory_space<hbm>> -> memref<1x1x1x128xi32, #tpu.memory_space<hbm>>
        %dma_wait3A_163 = tpu.memref_squeeze %dma_wait3A_162 : memref<1x1x1x128xi32, #tpu.memory_space<hbm>> -> memref<1x128xi32, #tpu.memory_space<hbm>>
        %dma_wait3A_164 = arith.constant 0 : i32
        %dma_wait3A_165 = arith.constant 0 : i32
        %dma_wait3A_166 = tpu.memref_slice %arg3[%add3A, %add3A_45, %dma_wait3A_164, %dma_wait3A_165] : memref<32x79x1x128xi32, #tpu.memory_space<hbm>> -> memref<1x1x1x128xi32, #tpu.memory_space<hbm>>
        %dma_wait3A_167 = tpu.memref_squeeze %dma_wait3A_166 : memref<1x1x1x128xi32, #tpu.memory_space<hbm>> -> memref<1x128xi32, #tpu.memory_space<hbm>>
        tpu.wait_dma2 semaphore(%arg23 : memref<!tpu.dma_semaphore, #tpu.memory_space<semaphore_mem>>) src(%dma_wait3A_167 : memref<1x128xi32, #tpu.memory_space<hbm>>) dst(%arg7 : memref<1x128xi32, #tpu.memory_space<vmem>>)
        %dma_start3A_168 = arith.constant 0 : i32
        %dma_start3A_169 = arith.constant 0 : i32
        %dma_start3A_170 = tpu.memref_slice %arg7[%dma_start3A_168, %dma_start3A_169] : memref<1x128xi32, #tpu.memory_space<vmem>> -> memref<1x128xi32, #tpu.memory_space<vmem>>
        %dma_start3A_171 = tpu.memref_squeeze %dma_start3A_170 : memref<1x128xi32, #tpu.memory_space<vmem>> -> memref<128xi32, #tpu.memory_space<vmem>>
        %dma_start3A_172 = arith.constant 0 : i32
        %dma_start3A_173 = arith.constant 0 : i32
        %dma_start3A_174 = tpu.memref_slice %arg2[%dma_start3A_172, %dma_start3A_173] : memref<10000x128xf32, #tpu.memory_space<hbm>> -> memref<10000x128xf32, #tpu.memory_space<hbm>>
        tpu.enqueue_indirect_dma source(%dma_start3A_174 : memref<10000x128xf32, #tpu.memory_space<hbm>>) target(%arg13 : memref<128x128xf32, #tpu.memory_space<vmem>>) offsets(%dma_start3A_171 : memref<128xi32, #tpu.memory_space<vmem>>) semaphore(%arg17 : memref<!tpu.dma_semaphore, #tpu.memory_space<semaphore_mem>>)
      } else {
      }
      %ge3A_62 = arith.constant 1 : i32
      %ge3A_63 = arith.cmpi sge, %add3A_45, %ge3A_62 : i32
      %sub3A_64 = arith.constant 1 : i32
      %sub3A_65 = arith.subi %add3A_45, %sub3A_64 : i32
      %lt3A_66 = arith.constant 79 : i32
      %lt3A_67 = arith.cmpi slt, %sub3A_65, %lt3A_66 : i32
      %and3A_68 = arith.andi %ge3A_63, %lt3A_67 : i1
      %convert_element_type3A_69 = arith.extui %and3A_68 : i1 to i32
      %cond3A_70 = arith.constant 0 : i32
      %cond3A_71 = arith.cmpi ne, %convert_element_type3A_69, %cond3A_70 : i32
      scf.if %cond3A_71 {
        %dma_wait3A = arith.constant 0 : i32
        %dma_wait3A_161 = arith.constant 0 : i32
        %dma_wait3A_162 = tpu.memref_slice %arg9[%dma_wait3A, %dma_wait3A_161] : memref<1x128xi32, #tpu.memory_space<vmem>> -> memref<1x128xi32, #tpu.memory_space<vmem>>
        %dma_wait3A_163 = tpu.memref_squeeze %dma_wait3A_162 : memref<1x128xi32, #tpu.memory_space<vmem>> -> memref<128xi32, #tpu.memory_space<vmem>>
        %dma_wait3A_164 = arith.constant 0 : i32
        %dma_wait3A_165 = arith.constant 0 : i32
        %dma_wait3A_166 = tpu.memref_slice %arg2[%dma_wait3A_164, %dma_wait3A_165] : memref<10000x128xf32, #tpu.memory_space<hbm>> -> memref<10000x128xf32, #tpu.memory_space<hbm>>
        tpu.wait_indirect_dma semaphore(%arg19 : memref<!tpu.dma_semaphore, #tpu.memory_space<semaphore_mem>>) src(%dma_wait3A_166 : memref<10000x128xf32, #tpu.memory_space<hbm>>) dst(%arg15 : memref<128x128xf32, #tpu.memory_space<vmem>>)
        %sub3A_167 = arith.constant 1 : i32
        %sub3A_168 = arith.subi %add3A_45, %sub3A_167 : i32
        %dma_wait3A_169 = arith.constant 0 : i32
        %dma_wait3A_170 = arith.constant 0 : i32
        %dma_wait3A_171 = tpu.memref_slice %arg4[%add3A, %sub3A_168, %dma_wait3A_169, %dma_wait3A_170] : memref<32x79x1x128xi32, #tpu.memory_space<hbm>> -> memref<1x1x1x128xi32, #tpu.memory_space<hbm>>
        %dma_wait3A_172 = tpu.memref_squeeze %dma_wait3A_171 : memref<1x1x1x128xi32, #tpu.memory_space<hbm>> -> memref<1x128xi32, #tpu.memory_space<hbm>>
        %dma_wait3A_173 = arith.constant 0 : i32
        %dma_wait3A_174 = arith.constant 0 : i32
        %dma_wait3A_175 = tpu.memref_slice %arg4[%add3A, %sub3A_168, %dma_wait3A_173, %dma_wait3A_174] : memref<32x79x1x128xi32, #tpu.memory_space<hbm>> -> memref<1x1x1x128xi32, #tpu.memory_space<hbm>>
        %dma_wait3A_176 = tpu.memref_squeeze %dma_wait3A_175 : memref<1x1x1x128xi32, #tpu.memory_space<hbm>> -> memref<1x128xi32, #tpu.memory_space<hbm>>
        tpu.wait_dma2 semaphore(%arg28 : memref<!tpu.dma_semaphore, #tpu.memory_space<semaphore_mem>>) src(%dma_wait3A_176 : memref<1x128xi32, #tpu.memory_space<hbm>>) dst(%arg12 : memref<1x128xi32, #tpu.memory_space<vmem>>)
        %dma_start3A_177 = arith.constant 0 : i32
        %dma_start3A_178 = arith.constant 0 : i32
        %dma_start3A_179 = tpu.memref_slice %arg12[%dma_start3A_177, %dma_start3A_178] : memref<1x128xi32, #tpu.memory_space<vmem>> -> memref<1x128xi32, #tpu.memory_space<vmem>>
        %dma_start3A_180 = tpu.memref_squeeze %dma_start3A_179 : memref<1x128xi32, #tpu.memory_space<vmem>> -> memref<128xi32, #tpu.memory_space<vmem>>
        %dma_start3A_181 = arith.constant 0 : i32
        %dma_start3A_182 = arith.constant 0 : i32
        %dma_start3A_183 = tpu.memref_slice %arg16[%dma_start3A_181, %dma_start3A_182] : memref<10112x128xf32, #tpu.memory_space<vmem_shared>> -> memref<10112x128xf32, #tpu.memory_space<vmem_shared>>
        tpu.enqueue_indirect_dma source(%arg15 : memref<128x128xf32, #tpu.memory_space<vmem>>) target(%dma_start3A_183 : memref<10112x128xf32, #tpu.memory_space<vmem_shared>>) offsets(%dma_start3A_180 : memref<128xi32, #tpu.memory_space<vmem>>) semaphore(%arg22 : memref<!tpu.dma_semaphore, #tpu.memory_space<semaphore_mem>>) {add = true}
      } else {
      }
      %add3A_72 = arith.constant 2 : i32
      %add3A_73 = arith.addi %add3A_45, %add3A_72 : i32
      %lt3A_74 = arith.constant 79 : i32
      %lt3A_75 = arith.cmpi slt, %add3A_73, %lt3A_74 : i32
      %convert_element_type3A_76 = arith.extui %lt3A_75 : i1 to i32
      %cond3A_77 = arith.constant 0 : i32
      %cond3A_78 = arith.cmpi ne, %convert_element_type3A_76, %cond3A_77 : i32
      scf.if %cond3A_78 {
        %add3A_161 = arith.constant 2 : i32
        %add3A_162 = arith.addi %add3A_45, %add3A_161 : i32
        %dma_start3A_163 = arith.constant 0 : i32
        %dma_start3A_164 = arith.constant 0 : i32
        %dma_start3A_165 = tpu.memref_slice %arg3[%add3A, %add3A_162, %dma_start3A_163, %dma_start3A_164] : memref<32x79x1x128xi32, #tpu.memory_space<hbm>> -> memref<1x1x1x128xi32, #tpu.memory_space<hbm>>
        %dma_start3A_166 = tpu.memref_squeeze %dma_start3A_165 : memref<1x1x1x128xi32, #tpu.memory_space<hbm>> -> memref<1x128xi32, #tpu.memory_space<hbm>>
        %dma_start3A_167 = arith.constant 0 : i32
        %dma_start3A_168 = arith.constant 0 : i32
        %dma_start3A_169 = tpu.memref_slice %arg3[%add3A, %add3A_162, %dma_start3A_167, %dma_start3A_168] : memref<32x79x1x128xi32, #tpu.memory_space<hbm>> -> memref<1x1x1x128xi32, #tpu.memory_space<hbm>>
        %dma_start3A_170 = tpu.memref_squeeze %dma_start3A_169 : memref<1x1x1x128xi32, #tpu.memory_space<hbm>> -> memref<1x128xi32, #tpu.memory_space<hbm>>
        tpu.enqueue_dma source(%dma_start3A_170 : memref<1x128xi32, #tpu.memory_space<hbm>>) target(%arg9 : memref<1x128xi32, #tpu.memory_space<vmem>>) target_semaphore(%arg25 : memref<!tpu.dma_semaphore, #tpu.memory_space<semaphore_mem>>)
      } else {
      }
      %add3A_79 = arith.constant 1 : i32
      %add3A_80 = arith.addi %mul3A_43, %add3A_79 : i32
      %ge3A_81 = arith.constant 2 : i32
      %ge3A_82 = arith.cmpi sge, %add3A_80, %ge3A_81 : i32
      %sub3A_83 = arith.constant 2 : i32
      %sub3A_84 = arith.subi %add3A_80, %sub3A_83 : i32
      %lt3A_85 = arith.constant 79 : i32
      %lt3A_86 = arith.cmpi slt, %sub3A_84, %lt3A_85 : i32
      %and3A_87 = arith.andi %ge3A_82, %lt3A_86 : i1
      %convert_element_type3A_88 = arith.extui %and3A_87 : i1 to i32
      %cond3A_89 = arith.constant 0 : i32
      %cond3A_90 = arith.cmpi ne, %convert_element_type3A_88, %cond3A_89 : i32
      scf.if %cond3A_90 {
        %dma_wait3A = arith.constant 0 : i32
        %dma_wait3A_161 = arith.constant 0 : i32
        %dma_wait3A_162 = tpu.memref_slice %arg12[%dma_wait3A, %dma_wait3A_161] : memref<1x128xi32, #tpu.memory_space<vmem>> -> memref<1x128xi32, #tpu.memory_space<vmem>>
        %dma_wait3A_163 = tpu.memref_squeeze %dma_wait3A_162 : memref<1x128xi32, #tpu.memory_space<vmem>> -> memref<128xi32, #tpu.memory_space<vmem>>
        %dma_wait3A_164 = arith.constant 0 : i32
        %dma_wait3A_165 = arith.constant 0 : i32
        %dma_wait3A_166 = tpu.memref_slice %arg16[%dma_wait3A_164, %dma_wait3A_165] : memref<10112x128xf32, #tpu.memory_space<vmem_shared>> -> memref<10112x128xf32, #tpu.memory_space<vmem_shared>>
        tpu.wait_indirect_dma semaphore(%arg22 : memref<!tpu.dma_semaphore, #tpu.memory_space<semaphore_mem>>) src(%arg15 : memref<128x128xf32, #tpu.memory_space<vmem>>) dst(%dma_wait3A_166 : memref<10112x128xf32, #tpu.memory_space<vmem_shared>>)
      } else {
      }
      %add3A_91 = arith.constant 1 : i32
      %add3A_92 = arith.addi %add3A_80, %add3A_91 : i32
      %lt3A_93 = arith.constant 79 : i32
      %lt3A_94 = arith.cmpi slt, %add3A_92, %lt3A_93 : i32
      %convert_element_type3A_95 = arith.extui %lt3A_94 : i1 to i32
      %cond3A_96 = arith.constant 0 : i32
      %cond3A_97 = arith.cmpi ne, %convert_element_type3A_95, %cond3A_96 : i32
      scf.if %cond3A_97 {
        %add3A_161 = arith.constant 1 : i32
        %add3A_162 = arith.addi %add3A_80, %add3A_161 : i32
        %dma_start3A_163 = arith.constant 0 : i32
        %dma_start3A_164 = arith.constant 0 : i32
        %dma_start3A_165 = tpu.memref_slice %arg4[%add3A, %add3A_162, %dma_start3A_163, %dma_start3A_164] : memref<32x79x1x128xi32, #tpu.memory_space<hbm>> -> memref<1x1x1x128xi32, #tpu.memory_space<hbm>>
        %dma_start3A_166 = tpu.memref_squeeze %dma_start3A_165 : memref<1x1x1x128xi32, #tpu.memory_space<hbm>> -> memref<1x128xi32, #tpu.memory_space<hbm>>
        %dma_start3A_167 = arith.constant 0 : i32
        %dma_start3A_168 = arith.constant 0 : i32
        %dma_start3A_169 = tpu.memref_slice %arg4[%add3A, %add3A_162, %dma_start3A_167, %dma_start3A_168] : memref<32x79x1x128xi32, #tpu.memory_space<hbm>> -> memref<1x1x1x128xi32, #tpu.memory_space<hbm>>
        %dma_start3A_170 = tpu.memref_squeeze %dma_start3A_169 : memref<1x1x1x128xi32, #tpu.memory_space<hbm>> -> memref<1x128xi32, #tpu.memory_space<hbm>>
        tpu.enqueue_dma source(%dma_start3A_170 : memref<1x128xi32, #tpu.memory_space<hbm>>) target(%arg12 : memref<1x128xi32, #tpu.memory_space<vmem>>) target_semaphore(%arg28 : memref<!tpu.dma_semaphore, #tpu.memory_space<semaphore_mem>>)
      } else {
      }
      %lt3A_98 = arith.constant 79 : i32
      %lt3A_99 = arith.cmpi slt, %add3A_80, %lt3A_98 : i32
      %convert_element_type3A_100 = arith.extui %lt3A_99 : i1 to i32
      %cond3A_101 = arith.constant 0 : i32
      %cond3A_102 = arith.cmpi ne, %convert_element_type3A_100, %cond3A_101 : i32
      scf.if %cond3A_102 {
        %dma_wait3A = arith.constant 0 : i32
        %dma_wait3A_161 = arith.constant 0 : i32
        %dma_wait3A_162 = tpu.memref_slice %arg3[%add3A, %add3A_80, %dma_wait3A, %dma_wait3A_161] : memref<32x79x1x128xi32, #tpu.memory_space<hbm>> -> memref<1x1x1x128xi32, #tpu.memory_space<hbm>>
        %dma_wait3A_163 = tpu.memref_squeeze %dma_wait3A_162 : memref<1x1x1x128xi32, #tpu.memory_space<hbm>> -> memref<1x128xi32, #tpu.memory_space<hbm>>
        %dma_wait3A_164 = arith.constant 0 : i32
        %dma_wait3A_165 = arith.constant 0 : i32
        %dma_wait3A_166 = tpu.memref_slice %arg3[%add3A, %add3A_80, %dma_wait3A_164, %dma_wait3A_165] : memref<32x79x1x128xi32, #tpu.memory_space<hbm>> -> memref<1x1x1x128xi32, #tpu.memory_space<hbm>>
        %dma_wait3A_167 = tpu.memref_squeeze %dma_wait3A_166 : memref<1x1x1x128xi32, #tpu.memory_space<hbm>> -> memref<1x128xi32, #tpu.memory_space<hbm>>
        tpu.wait_dma2 semaphore(%arg24 : memref<!tpu.dma_semaphore, #tpu.memory_space<semaphore_mem>>) src(%dma_wait3A_167 : memref<1x128xi32, #tpu.memory_space<hbm>>) dst(%arg8 : memref<1x128xi32, #tpu.memory_space<vmem>>)
        %dma_start3A_168 = arith.constant 0 : i32
        %dma_start3A_169 = arith.constant 0 : i32
        %dma_start3A_170 = tpu.memref_slice %arg8[%dma_start3A_168, %dma_start3A_169] : memref<1x128xi32, #tpu.memory_space<vmem>> -> memref<1x128xi32, #tpu.memory_space<vmem>>
        %dma_start3A_171 = tpu.memref_squeeze %dma_start3A_170 : memref<1x128xi32, #tpu.memory_space<vmem>> -> memref<128xi32, #tpu.memory_space<vmem>>
        %dma_start3A_172 = arith.constant 0 : i32
        %dma_start3A_173 = arith.constant 0 : i32
        %dma_start3A_174 = tpu.memref_slice %arg2[%dma_start3A_172, %dma_start3A_173] : memref<10000x128xf32, #tpu.memory_space<hbm>> -> memref<10000x128xf32, #tpu.memory_space<hbm>>
        tpu.enqueue_indirect_dma source(%dma_start3A_174 : memref<10000x128xf32, #tpu.memory_space<hbm>>) target(%arg14 : memref<128x128xf32, #tpu.memory_space<vmem>>) offsets(%dma_start3A_171 : memref<128xi32, #tpu.memory_space<vmem>>) semaphore(%arg18 : memref<!tpu.dma_semaphore, #tpu.memory_space<semaphore_mem>>)
      } else {
      }
      %ge3A_103 = arith.constant 1 : i32
      %ge3A_104 = arith.cmpi sge, %add3A_80, %ge3A_103 : i32
      %sub3A_105 = arith.constant 1 : i32
      %sub3A_106 = arith.subi %add3A_80, %sub3A_105 : i32
      %lt3A_107 = arith.constant 79 : i32
      %lt3A_108 = arith.cmpi slt, %sub3A_106, %lt3A_107 : i32
      %and3A_109 = arith.andi %ge3A_104, %lt3A_108 : i1
      %convert_element_type3A_110 = arith.extui %and3A_109 : i1 to i32
      %cond3A_111 = arith.constant 0 : i32
      %cond3A_112 = arith.cmpi ne, %convert_element_type3A_110, %cond3A_111 : i32
      scf.if %cond3A_112 {
        %dma_wait3A = arith.constant 0 : i32
        %dma_wait3A_161 = arith.constant 0 : i32
        %dma_wait3A_162 = tpu.memref_slice %arg7[%dma_wait3A, %dma_wait3A_161] : memref<1x128xi32, #tpu.memory_space<vmem>> -> memref<1x128xi32, #tpu.memory_space<vmem>>
        %dma_wait3A_163 = tpu.memref_squeeze %dma_wait3A_162 : memref<1x128xi32, #tpu.memory_space<vmem>> -> memref<128xi32, #tpu.memory_space<vmem>>
        %dma_wait3A_164 = arith.constant 0 : i32
        %dma_wait3A_165 = arith.constant 0 : i32
        %dma_wait3A_166 = tpu.memref_slice %arg2[%dma_wait3A_164, %dma_wait3A_165] : memref<10000x128xf32, #tpu.memory_space<hbm>> -> memref<10000x128xf32, #tpu.memory_space<hbm>>
        tpu.wait_indirect_dma semaphore(%arg17 : memref<!tpu.dma_semaphore, #tpu.memory_space<semaphore_mem>>) src(%dma_wait3A_166 : memref<10000x128xf32, #tpu.memory_space<hbm>>) dst(%arg13 : memref<128x128xf32, #tpu.memory_space<vmem>>)
        %sub3A_167 = arith.constant 1 : i32
        %sub3A_168 = arith.subi %add3A_80, %sub3A_167 : i32
        %dma_wait3A_169 = arith.constant 0 : i32
        %dma_wait3A_170 = arith.constant 0 : i32
        %dma_wait3A_171 = tpu.memref_slice %arg4[%add3A, %sub3A_168, %dma_wait3A_169, %dma_wait3A_170] : memref<32x79x1x128xi32, #tpu.memory_space<hbm>> -> memref<1x1x1x128xi32, #tpu.memory_space<hbm>>
        %dma_wait3A_172 = tpu.memref_squeeze %dma_wait3A_171 : memref<1x1x1x128xi32, #tpu.memory_space<hbm>> -> memref<1x128xi32, #tpu.memory_space<hbm>>
        %dma_wait3A_173 = arith.constant 0 : i32
        %dma_wait3A_174 = arith.constant 0 : i32
        %dma_wait3A_175 = tpu.memref_slice %arg4[%add3A, %sub3A_168, %dma_wait3A_173, %dma_wait3A_174] : memref<32x79x1x128xi32, #tpu.memory_space<hbm>> -> memref<1x1x1x128xi32, #tpu.memory_space<hbm>>
        %dma_wait3A_176 = tpu.memref_squeeze %dma_wait3A_175 : memref<1x1x1x128xi32, #tpu.memory_space<hbm>> -> memref<1x128xi32, #tpu.memory_space<hbm>>
        tpu.wait_dma2 semaphore(%arg26 : memref<!tpu.dma_semaphore, #tpu.memory_space<semaphore_mem>>) src(%dma_wait3A_176 : memref<1x128xi32, #tpu.memory_space<hbm>>) dst(%arg10 : memref<1x128xi32, #tpu.memory_space<vmem>>)
        %dma_start3A_177 = arith.constant 0 : i32
        %dma_start3A_178 = arith.constant 0 : i32
        %dma_start3A_179 = tpu.memref_slice %arg10[%dma_start3A_177, %dma_start3A_178] : memref<1x128xi32, #tpu.memory_space<vmem>> -> memref<1x128xi32, #tpu.memory_space<vmem>>
        %dma_start3A_180 = tpu.memref_squeeze %dma_start3A_179 : memref<1x128xi32, #tpu.memory_space<vmem>> -> memref<128xi32, #tpu.memory_space<vmem>>
        %dma_start3A_181 = arith.constant 0 : i32
        %dma_start3A_182 = arith.constant 0 : i32
        %dma_start3A_183 = tpu.memref_slice %arg16[%dma_start3A_181, %dma_start3A_182] : memref<10112x128xf32, #tpu.memory_space<vmem_shared>> -> memref<10112x128xf32, #tpu.memory_space<vmem_shared>>
        tpu.enqueue_indirect_dma source(%arg13 : memref<128x128xf32, #tpu.memory_space<vmem>>) target(%dma_start3A_183 : memref<10112x128xf32, #tpu.memory_space<vmem_shared>>) offsets(%dma_start3A_180 : memref<128xi32, #tpu.memory_space<vmem>>) semaphore(%arg20 : memref<!tpu.dma_semaphore, #tpu.memory_space<semaphore_mem>>) {add = true}
      } else {
      }
      %add3A_113 = arith.constant 2 : i32
      %add3A_114 = arith.addi %add3A_80, %add3A_113 : i32
      %lt3A_115 = arith.constant 79 : i32
      %lt3A_116 = arith.cmpi slt, %add3A_114, %lt3A_115 : i32
      %convert_element_type3A_117 = arith.extui %lt3A_116 : i1 to i32
      %cond3A_118 = arith.constant 0 : i32
      %cond3A_119 = arith.cmpi ne, %convert_element_type3A_117, %cond3A_118 : i32
      scf.if %cond3A_119 {
        %add3A_161 = arith.constant 2 : i32
        %add3A_162 = arith.addi %add3A_80, %add3A_161 : i32
        %dma_start3A_163 = arith.constant 0 : i32
        %dma_start3A_164 = arith.constant 0 : i32
        %dma_start3A_165 = tpu.memref_slice %arg3[%add3A, %add3A_162, %dma_start3A_163, %dma_start3A_164] : memref<32x79x1x128xi32, #tpu.memory_space<hbm>> -> memref<1x1x1x128xi32, #tpu.memory_space<hbm>>
        %dma_start3A_166 = tpu.memref_squeeze %dma_start3A_165 : memref<1x1x1x128xi32, #tpu.memory_space<hbm>> -> memref<1x128xi32, #tpu.memory_space<hbm>>
        %dma_start3A_167 = arith.constant 0 : i32
        %dma_start3A_168 = arith.constant 0 : i32
        %dma_start3A_169 = tpu.memref_slice %arg3[%add3A, %add3A_162, %dma_start3A_167, %dma_start3A_168] : memref<32x79x1x128xi32, #tpu.memory_space<hbm>> -> memref<1x1x1x128xi32, #tpu.memory_space<hbm>>
        %dma_start3A_170 = tpu.memref_squeeze %dma_start3A_169 : memref<1x1x1x128xi32, #tpu.memory_space<hbm>> -> memref<1x128xi32, #tpu.memory_space<hbm>>
        tpu.enqueue_dma source(%dma_start3A_170 : memref<1x128xi32, #tpu.memory_space<hbm>>) target(%arg7 : memref<1x128xi32, #tpu.memory_space<vmem>>) target_semaphore(%arg23 : memref<!tpu.dma_semaphore, #tpu.memory_space<semaphore_mem>>)
      } else {
      }
      %add3A_120 = arith.constant 2 : i32
      %add3A_121 = arith.addi %mul3A_43, %add3A_120 : i32
      %ge3A_122 = arith.constant 2 : i32
      %ge3A_123 = arith.cmpi sge, %add3A_121, %ge3A_122 : i32
      %sub3A_124 = arith.constant 2 : i32
      %sub3A_125 = arith.subi %add3A_121, %sub3A_124 : i32
      %lt3A_126 = arith.constant 79 : i32
      %lt3A_127 = arith.cmpi slt, %sub3A_125, %lt3A_126 : i32
      %and3A_128 = arith.andi %ge3A_123, %lt3A_127 : i1
      %convert_element_type3A_129 = arith.extui %and3A_128 : i1 to i32
      %cond3A_130 = arith.constant 0 : i32
      %cond3A_131 = arith.cmpi ne, %convert_element_type3A_129, %cond3A_130 : i32
      scf.if %cond3A_131 {
        %dma_wait3A = arith.constant 0 : i32
        %dma_wait3A_161 = arith.constant 0 : i32
        %dma_wait3A_162 = tpu.memref_slice %arg10[%dma_wait3A, %dma_wait3A_161] : memref<1x128xi32, #tpu.memory_space<vmem>> -> memref<1x128xi32, #tpu.memory_space<vmem>>
        %dma_wait3A_163 = tpu.memref_squeeze %dma_wait3A_162 : memref<1x128xi32, #tpu.memory_space<vmem>> -> memref<128xi32, #tpu.memory_space<vmem>>
        %dma_wait3A_164 = arith.constant 0 : i32
        %dma_wait3A_165 = arith.constant 0 : i32
        %dma_wait3A_166 = tpu.memref_slice %arg16[%dma_wait3A_164, %dma_wait3A_165] : memref<10112x128xf32, #tpu.memory_space<vmem_shared>> -> memref<10112x128xf32, #tpu.memory_space<vmem_shared>>
        tpu.wait_indirect_dma semaphore(%arg20 : memref<!tpu.dma_semaphore, #tpu.memory_space<semaphore_mem>>) src(%arg13 : memref<128x128xf32, #tpu.memory_space<vmem>>) dst(%dma_wait3A_166 : memref<10112x128xf32, #tpu.memory_space<vmem_shared>>)
      } else {
      }
      %add3A_132 = arith.constant 1 : i32
      %add3A_133 = arith.addi %add3A_121, %add3A_132 : i32
      %lt3A_134 = arith.constant 79 : i32
      %lt3A_135 = arith.cmpi slt, %add3A_133, %lt3A_134 : i32
      %convert_element_type3A_136 = arith.extui %lt3A_135 : i1 to i32
      %cond3A_137 = arith.constant 0 : i32
      %cond3A_138 = arith.cmpi ne, %convert_element_type3A_136, %cond3A_137 : i32
      scf.if %cond3A_138 {
        %add3A_161 = arith.constant 1 : i32
        %add3A_162 = arith.addi %add3A_121, %add3A_161 : i32
        %dma_start3A_163 = arith.constant 0 : i32
        %dma_start3A_164 = arith.constant 0 : i32
        %dma_start3A_165 = tpu.memref_slice %arg4[%add3A, %add3A_162, %dma_start3A_163, %dma_start3A_164] : memref<32x79x1x128xi32, #tpu.memory_space<hbm>> -> memref<1x1x1x128xi32, #tpu.memory_space<hbm>>
        %dma_start3A_166 = tpu.memref_squeeze %dma_start3A_165 : memref<1x1x1x128xi32, #tpu.memory_space<hbm>> -> memref<1x128xi32, #tpu.memory_space<hbm>>
        %dma_start3A_167 = arith.constant 0 : i32
        %dma_start3A_168 = arith.constant 0 : i32
        %dma_start3A_169 = tpu.memref_slice %arg4[%add3A, %add3A_162, %dma_start3A_167, %dma_start3A_168] : memref<32x79x1x128xi32, #tpu.memory_space<hbm>> -> memref<1x1x1x128xi32, #tpu.memory_space<hbm>>
        %dma_start3A_170 = tpu.memref_squeeze %dma_start3A_169 : memref<1x1x1x128xi32, #tpu.memory_space<hbm>> -> memref<1x128xi32, #tpu.memory_space<hbm>>
        tpu.enqueue_dma source(%dma_start3A_170 : memref<1x128xi32, #tpu.memory_space<hbm>>) target(%arg10 : memref<1x128xi32, #tpu.memory_space<vmem>>) target_semaphore(%arg26 : memref<!tpu.dma_semaphore, #tpu.memory_space<semaphore_mem>>)
      } else {
      }
      %lt3A_139 = arith.constant 79 : i32
      %lt3A_140 = arith.cmpi slt, %add3A_121, %lt3A_139 : i32
      %convert_element_type3A_141 = arith.extui %lt3A_140 : i1 to i32
      %cond3A_142 = arith.constant 0 : i32
      %cond3A_143 = arith.cmpi ne, %convert_element_type3A_141, %cond3A_142 : i32
      scf.if %cond3A_143 {
        %dma_wait3A = arith.constant 0 : i32
        %dma_wait3A_161 = arith.constant 0 : i32
        %dma_wait3A_162 = tpu.memref_slice %arg3[%add3A, %add3A_121, %dma_wait3A, %dma_wait3A_161] : memref<32x79x1x128xi32, #tpu.memory_space<hbm>> -> memref<1x1x1x128xi32, #tpu.memory_space<hbm>>
        %dma_wait3A_163 = tpu.memref_squeeze %dma_wait3A_162 : memref<1x1x1x128xi32, #tpu.memory_space<hbm>> -> memref<1x128xi32, #tpu.memory_space<hbm>>
        %dma_wait3A_164 = arith.constant 0 : i32
        %dma_wait3A_165 = arith.constant 0 : i32
        %dma_wait3A_166 = tpu.memref_slice %arg3[%add3A, %add3A_121, %dma_wait3A_164, %dma_wait3A_165] : memref<32x79x1x128xi32, #tpu.memory_space<hbm>> -> memref<1x1x1x128xi32, #tpu.memory_space<hbm>>
        %dma_wait3A_167 = tpu.memref_squeeze %dma_wait3A_166 : memref<1x1x1x128xi32, #tpu.memory_space<hbm>> -> memref<1x128xi32, #tpu.memory_space<hbm>>
        tpu.wait_dma2 semaphore(%arg25 : memref<!tpu.dma_semaphore, #tpu.memory_space<semaphore_mem>>) src(%dma_wait3A_167 : memref<1x128xi32, #tpu.memory_space<hbm>>) dst(%arg9 : memref<1x128xi32, #tpu.memory_space<vmem>>)
        %dma_start3A_168 = arith.constant 0 : i32
        %dma_start3A_169 = arith.constant 0 : i32
        %dma_start3A_170 = tpu.memref_slice %arg9[%dma_start3A_168, %dma_start3A_169] : memref<1x128xi32, #tpu.memory_space<vmem>> -> memref<1x128xi32, #tpu.memory_space<vmem>>
        %dma_start3A_171 = tpu.memref_squeeze %dma_start3A_170 : memref<1x128xi32, #tpu.memory_space<vmem>> -> memref<128xi32, #tpu.memory_space<vmem>>
        %dma_start3A_172 = arith.constant 0 : i32
        %dma_start3A_173 = arith.constant 0 : i32
        %dma_start3A_174 = tpu.memref_slice %arg2[%dma_start3A_172, %dma_start3A_173] : memref<10000x128xf32, #tpu.memory_space<hbm>> -> memref<10000x128xf32, #tpu.memory_space<hbm>>
        tpu.enqueue_indirect_dma source(%dma_start3A_174 : memref<10000x128xf32, #tpu.memory_space<hbm>>) target(%arg15 : memref<128x128xf32, #tpu.memory_space<vmem>>) offsets(%dma_start3A_171 : memref<128xi32, #tpu.memory_space<vmem>>) semaphore(%arg19 : memref<!tpu.dma_semaphore, #tpu.memory_space<semaphore_mem>>)
      } else {
      }
      %ge3A_144 = arith.constant 1 : i32
      %ge3A_145 = arith.cmpi sge, %add3A_121, %ge3A_144 : i32
      %sub3A_146 = arith.constant 1 : i32
      %sub3A_147 = arith.subi %add3A_121, %sub3A_146 : i32
      %lt3A_148 = arith.constant 79 : i32
      %lt3A_149 = arith.cmpi slt, %sub3A_147, %lt3A_148 : i32
      %and3A_150 = arith.andi %ge3A_145, %lt3A_149 : i1
      %convert_element_type3A_151 = arith.extui %and3A_150 : i1 to i32
      %cond3A_152 = arith.constant 0 : i32
      %cond3A_153 = arith.cmpi ne, %convert_element_type3A_151, %cond3A_152 : i32
      scf.if %cond3A_153 {
        %dma_wait3A = arith.constant 0 : i32
        %dma_wait3A_161 = arith.constant 0 : i32
        %dma_wait3A_162 = tpu.memref_slice %arg8[%dma_wait3A, %dma_wait3A_161] : memref<1x128xi32, #tpu.memory_space<vmem>> -> memref<1x128xi32, #tpu.memory_space<vmem>>
        %dma_wait3A_163 = tpu.memref_squeeze %dma_wait3A_162 : memref<1x128xi32, #tpu.memory_space<vmem>> -> memref<128xi32, #tpu.memory_space<vmem>>
        %dma_wait3A_164 = arith.constant 0 : i32
        %dma_wait3A_165 = arith.constant 0 : i32
        %dma_wait3A_166 = tpu.memref_slice %arg2[%dma_wait3A_164, %dma_wait3A_165] : memref<10000x128xf32, #tpu.memory_space<hbm>> -> memref<10000x128xf32, #tpu.memory_space<hbm>>
        tpu.wait_indirect_dma semaphore(%arg18 : memref<!tpu.dma_semaphore, #tpu.memory_space<semaphore_mem>>) src(%dma_wait3A_166 : memref<10000x128xf32, #tpu.memory_space<hbm>>) dst(%arg14 : memref<128x128xf32, #tpu.memory_space<vmem>>)
        %sub3A_167 = arith.constant 1 : i32
        %sub3A_168 = arith.subi %add3A_121, %sub3A_167 : i32
        %dma_wait3A_169 = arith.constant 0 : i32
        %dma_wait3A_170 = arith.constant 0 : i32
        %dma_wait3A_171 = tpu.memref_slice %arg4[%add3A, %sub3A_168, %dma_wait3A_169, %dma_wait3A_170] : memref<32x79x1x128xi32, #tpu.memory_space<hbm>> -> memref<1x1x1x128xi32, #tpu.memory_space<hbm>>
        %dma_wait3A_172 = tpu.memref_squeeze %dma_wait3A_171 : memref<1x1x1x128xi32, #tpu.memory_space<hbm>> -> memref<1x128xi32, #tpu.memory_space<hbm>>
        %dma_wait3A_173 = arith.constant 0 : i32
        %dma_wait3A_174 = arith.constant 0 : i32
        %dma_wait3A_175 = tpu.memref_slice %arg4[%add3A, %sub3A_168, %dma_wait3A_173, %dma_wait3A_174] : memref<32x79x1x128xi32, #tpu.memory_space<hbm>> -> memref<1x1x1x128xi32, #tpu.memory_space<hbm>>
        %dma_wait3A_176 = tpu.memref_squeeze %dma_wait3A_175 : memref<1x1x1x128xi32, #tpu.memory_space<hbm>> -> memref<1x128xi32, #tpu.memory_space<hbm>>
        tpu.wait_dma2 semaphore(%arg27 : memref<!tpu.dma_semaphore, #tpu.memory_space<semaphore_mem>>) src(%dma_wait3A_176 : memref<1x128xi32, #tpu.memory_space<hbm>>) dst(%arg11 : memref<1x128xi32, #tpu.memory_space<vmem>>)
        %dma_start3A_177 = arith.constant 0 : i32
        %dma_start3A_178 = arith.constant 0 : i32
        %dma_start3A_179 = tpu.memref_slice %arg11[%dma_start3A_177, %dma_start3A_178] : memref<1x128xi32, #tpu.memory_space<vmem>> -> memref<1x128xi32, #tpu.memory_space<vmem>>
        %dma_start3A_180 = tpu.memref_squeeze %dma_start3A_179 : memref<1x128xi32, #tpu.memory_space<vmem>> -> memref<128xi32, #tpu.memory_space<vmem>>
        %dma_start3A_181 = arith.constant 0 : i32
        %dma_start3A_182 = arith.constant 0 : i32
        %dma_start3A_183 = tpu.memref_slice %arg16[%dma_start3A_181, %dma_start3A_182] : memref<10112x128xf32, #tpu.memory_space<vmem_shared>> -> memref<10112x128xf32, #tpu.memory_space<vmem_shared>>
        tpu.enqueue_indirect_dma source(%arg14 : memref<128x128xf32, #tpu.memory_space<vmem>>) target(%dma_start3A_183 : memref<10112x128xf32, #tpu.memory_space<vmem_shared>>) offsets(%dma_start3A_180 : memref<128xi32, #tpu.memory_space<vmem>>) semaphore(%arg21 : memref<!tpu.dma_semaphore, #tpu.memory_space<semaphore_mem>>) {add = true}
      } else {
      }
      %add3A_154 = arith.constant 2 : i32
      %add3A_155 = arith.addi %add3A_121, %add3A_154 : i32
      %lt3A_156 = arith.constant 79 : i32
      %lt3A_157 = arith.cmpi slt, %add3A_155, %lt3A_156 : i32
      %convert_element_type3A_158 = arith.extui %lt3A_157 : i1 to i32
      %cond3A_159 = arith.constant 0 : i32
      %cond3A_160 = arith.cmpi ne, %convert_element_type3A_158, %cond3A_159 : i32
      scf.if %cond3A_160 {
        %add3A_161 = arith.constant 2 : i32
        %add3A_162 = arith.addi %add3A_121, %add3A_161 : i32
        %dma_start3A_163 = arith.constant 0 : i32
        %dma_start3A_164 = arith.constant 0 : i32
        %dma_start3A_165 = tpu.memref_slice %arg3[%add3A, %add3A_162, %dma_start3A_163, %dma_start3A_164] : memref<32x79x1x128xi32, #tpu.memory_space<hbm>> -> memref<1x1x1x128xi32, #tpu.memory_space<hbm>>
        %dma_start3A_166 = tpu.memref_squeeze %dma_start3A_165 : memref<1x1x1x128xi32, #tpu.memory_space<hbm>> -> memref<1x128xi32, #tpu.memory_space<hbm>>
        %dma_start3A_167 = arith.constant 0 : i32
        %dma_start3A_168 = arith.constant 0 : i32
        %dma_start3A_169 = tpu.memref_slice %arg3[%add3A, %add3A_162, %dma_start3A_167, %dma_start3A_168] : memref<32x79x1x128xi32, #tpu.memory_space<hbm>> -> memref<1x1x1x128xi32, #tpu.memory_space<hbm>>
        %dma_start3A_170 = tpu.memref_squeeze %dma_start3A_169 : memref<1x1x1x128xi32, #tpu.memory_space<hbm>> -> memref<1x128xi32, #tpu.memory_space<hbm>>
        tpu.enqueue_dma source(%dma_start3A_170 : memref<1x128xi32, #tpu.memory_space<hbm>>) target(%arg8 : memref<1x128xi32, #tpu.memory_space<vmem>>) target_semaphore(%arg24 : memref<!tpu.dma_semaphore, #tpu.memory_space<semaphore_mem>>)
      } else {
      }
    }
    %scan3A_35 = arith.constant 27 : i32
    %barrier3A_36 = arith.constant 0 : index
    tpu.barrier barrier_id(%barrier3A_36)
    %mul3A_37 = arith.constant 632 : i32
    %mul3A_38 = arith.muli %arg1, %mul3A_37 : i32
    %mul3A_39 = arith.constant 632 : i32
    %mul3A_40 = arith.muli %arg1, %mul3A_39 : i32
    "tpu.region"() ({
      %run_scoped3A = tpu.sem_alloc : memref<!tpu.dma_semaphore, #tpu.memory_space<semaphore_mem>>
      %dma_start3A_41 = arith.constant 0 : i32
      %dma_start3A_42 = tpu.memref_slice %arg6[%arg0, %mul3A_40, %dma_start3A_41] : memref<2x10112x128xf32, #tpu.memory_space<hbm>> -> memref<1x632x128xf32, #tpu.memory_space<hbm>>
      %dma_start3A_43 = tpu.memref_squeeze %dma_start3A_42 : memref<1x632x128xf32, #tpu.memory_space<hbm>> -> memref<632x128xf32, #tpu.memory_space<hbm>>
      %dma_start3A_44 = arith.constant 0 : i32
      %dma_start3A_45 = tpu.memref_slice %arg16[%mul3A_38, %dma_start3A_44] : memref<10112x128xf32, #tpu.memory_space<vmem_shared>> -> memref<632x128xf32, #tpu.memory_space<vmem_shared>>
      tpu.enqueue_dma source(%dma_start3A_45 : memref<632x128xf32, #tpu.memory_space<vmem_shared>>) target(%dma_start3A_43 : memref<632x128xf32, #tpu.memory_space<hbm>>) target_semaphore(%run_scoped3A : memref<!tpu.dma_semaphore, #tpu.memory_space<semaphore_mem>>)
      %dma_wait3A = arith.constant 0 : i32
      %dma_wait3A_46 = tpu.memref_slice %arg6[%arg0, %mul3A_40, %dma_wait3A] : memref<2x10112x128xf32, #tpu.memory_space<hbm>> -> memref<1x632x128xf32, #tpu.memory_space<hbm>>
      %dma_wait3A_47 = tpu.memref_squeeze %dma_wait3A_46 : memref<1x632x128xf32, #tpu.memory_space<hbm>> -> memref<632x128xf32, #tpu.memory_space<hbm>>
      %dma_wait3A_48 = arith.constant 0 : i32
      %dma_wait3A_49 = tpu.memref_slice %arg16[%mul3A_38, %dma_wait3A_48] : memref<10112x128xf32, #tpu.memory_space<vmem_shared>> -> memref<632x128xf32, #tpu.memory_space<vmem_shared>>
      tpu.wait_dma2 semaphore(%run_scoped3A : memref<!tpu.dma_semaphore, #tpu.memory_space<semaphore_mem>>) src(%dma_wait3A_49 : memref<632x128xf32, #tpu.memory_space<vmem_shared>>) dst(%dma_wait3A_47 : memref<632x128xf32, #tpu.memory_space<hbm>>)
      tpu.yield
    }) : () -> ()
    return
  }
}

#map = affine_map<(d0, d1) -> (0, 0)>
#map1 = affine_map<(d0, d1) -> (0, 0, 0, 0)>
#map2 = affine_map<(d0, d1) -> (0, 0, 0)>
module attributes {stable_mosaic.version = 14 : i64} {
  func.func @agg(%arg0: i32, %arg1: i32, %arg2: memref<10112x128xf32, #tpu.memory_space<hbm>>, %arg3: memref<32x79x1x128xi32, #tpu.memory_space<hbm>>, %arg4: memref<32x79x1x128xi32, #tpu.memory_space<hbm>>, %arg5: memref<10112x128xf32, #tpu.memory_space<hbm>>, %arg6: memref<2x10112x128xf32, #tpu.memory_space<hbm>>, %arg7: memref<1x128xi32, #tpu.memory_space<vmem>>, %arg8: memref<1x128xi32, #tpu.memory_space<vmem>>, %arg9: memref<1x128xi32, #tpu.memory_space<vmem>>, %arg10: memref<1x128xi32, #tpu.memory_space<vmem>>, %arg11: memref<1x128xi32, #tpu.memory_space<vmem>>, %arg12: memref<1x128xi32, #tpu.memory_space<vmem>>, %arg13: memref<128x128xf32, #tpu.memory_space<vmem>>, %arg14: memref<128x128xf32, #tpu.memory_space<vmem>>, %arg15: memref<128x128xf32, #tpu.memory_space<vmem>>, %arg16: memref<10112x128xf32, #tpu.memory_space<vmem_shared>>, %arg17: memref<!tpu.dma_semaphore, #tpu.memory_space<semaphore_mem>>, %arg18: memref<!tpu.dma_semaphore, #tpu.memory_space<semaphore_mem>>, %arg19: memref<!tpu.dma_semaphore, #tpu.memory_space<semaphore_mem>>, %arg20: memref<!tpu.dma_semaphore, #tpu.memory_space<semaphore_mem>>, %arg21: memref<!tpu.dma_semaphore, #tpu.memory_space<semaphore_mem>>, %arg22: memref<!tpu.dma_semaphore, #tpu.memory_space<semaphore_mem>>, %arg23: memref<!tpu.dma_semaphore, #tpu.memory_space<semaphore_mem>>, %arg24: memref<!tpu.dma_semaphore, #tpu.memory_space<semaphore_mem>>, %arg25: memref<!tpu.dma_semaphore, #tpu.memory_space<semaphore_mem>>, %arg26: memref<!tpu.dma_semaphore, #tpu.memory_space<semaphore_mem>>, %arg27: memref<!tpu.dma_semaphore, #tpu.memory_space<semaphore_mem>>, %arg28: memref<!tpu.dma_semaphore, #tpu.memory_space<semaphore_mem>>) attributes {dimension_semantics = [#tpu.dimension_semantics<core_parallel>, #tpu.dimension_semantics<subcore_parallel>], iteration_bounds = array<i64: 2, 16>, scalar_prefetch = 0 : i64, scratch_operands = 22 : i64, tpu.core_type = #tpu.core_type<sc_vector_subcore>, window_params = [{transform_indices = #map}, {transform_indices = #map1}, {transform_indices = #map1}, {transform_indices = #map}, {transform_indices = #map2}]} {
    %mul3A = arith.constant 16 : i32
    %mul3A_0 = arith.muli %arg0, %mul3A : i32
    %add3A = arith.addi %mul3A_0, %arg1 : i32
    %mul3A_1 = arith.constant 632 : i32
    %mul3A_2 = arith.muli %arg1, %mul3A_1 : i32
    %mul3A_3 = arith.constant 632 : i32
    %mul3A_4 = arith.muli %arg1, %mul3A_3 : i32
    "tpu.region"() ({
      %run_scoped3A = tpu.sem_alloc : memref<!tpu.dma_semaphore, #tpu.memory_space<semaphore_mem>>
      %dma_start3A_41 = arith.constant 0 : i32
      %dma_start3A_42 = tpu.memref_slice %arg16[%mul3A_4, %dma_start3A_41] : memref<10112x128xf32, #tpu.memory_space<vmem_shared>> -> memref<632x128xf32, #tpu.memory_space<vmem_shared>>
      %dma_start3A_43 = arith.constant 0 : i32
      %dma_start3A_44 = tpu.memref_slice %arg5[%mul3A_2, %dma_start3A_43] : memref<10112x128xf32, #tpu.memory_space<hbm>> -> memref<632x128xf32, #tpu.memory_space<hbm>>
      tpu.enqueue_dma source(%dma_start3A_44 : memref<632x128xf32, #tpu.memory_space<hbm>>) target(%dma_start3A_42 : memref<632x128xf32, #tpu.memory_space<vmem_shared>>) target_semaphore(%run_scoped3A : memref<!tpu.dma_semaphore, #tpu.memory_space<semaphore_mem>>)
      %dma_wait3A = arith.constant 0 : i32
      %dma_wait3A_45 = tpu.memref_slice %arg16[%mul3A_4, %dma_wait3A] : memref<10112x128xf32, #tpu.memory_space<vmem_shared>> -> memref<632x128xf32, #tpu.memory_space<vmem_shared>>
      %dma_wait3A_46 = arith.constant 0 : i32
      %dma_wait3A_47 = tpu.memref_slice %arg5[%mul3A_2, %dma_wait3A_46] : memref<10112x128xf32, #tpu.memory_space<hbm>> -> memref<632x128xf32, #tpu.memory_space<hbm>>
      tpu.wait_dma2 semaphore(%run_scoped3A : memref<!tpu.dma_semaphore, #tpu.memory_space<semaphore_mem>>) src(%dma_wait3A_47 : memref<632x128xf32, #tpu.memory_space<hbm>>) dst(%dma_wait3A_45 : memref<632x128xf32, #tpu.memory_space<vmem_shared>>)
      tpu.yield
    }) : () -> ()
    %barrier3A = arith.constant 0 : index
    tpu.barrier barrier_id(%barrier3A)
    %dma_start3A = arith.constant 0 : i32
    %dma_start3A_5 = arith.constant 0 : i32
    %dma_start3A_6 = arith.constant 0 : i32
    %dma_start3A_7 = tpu.memref_slice %arg3[%add3A, %dma_start3A, %dma_start3A_5, %dma_start3A_6] : memref<32x79x1x128xi32, #tpu.memory_space<hbm>> -> memref<1x1x1x128xi32, #tpu.memory_space<hbm>>
    %dma_start3A_8 = tpu.memref_squeeze %dma_start3A_7 : memref<1x1x1x128xi32, #tpu.memory_space<hbm>> -> memref<1x128xi32, #tpu.memory_space<hbm>>
    %dma_start3A_9 = arith.constant 0 : i32
    %dma_start3A_10 = arith.constant 0 : i32
    %dma_start3A_11 = tpu.memref_slice %arg3[%add3A, %dma_start3A, %dma_start3A_9, %dma_start3A_10] : memref<32x79x1x128xi32, #tpu.memory_space<hbm>> -> memref<1x1x1x128xi32, #tpu.memory_space<hbm>>
    %dma_start3A_12 = tpu.memref_squeeze %dma_start3A_11 : memref<1x1x1x128xi32, #tpu.memory_space<hbm>> -> memref<1x128xi32, #tpu.memory_space<hbm>>
    tpu.enqueue_dma source(%dma_start3A_12 : memref<1x128xi32, #tpu.memory_space<hbm>>) target(%arg7 : memref<1x128xi32, #tpu.memory_space<vmem>>) target_semaphore(%arg23 : memref<!tpu.dma_semaphore, #tpu.memory_space<semaphore_mem>>)
    %dma_start3A_13 = arith.constant 1 : i32
    %dma_start3A_14 = arith.constant 0 : i32
    %dma_start3A_15 = arith.constant 0 : i32
    %dma_start3A_16 = tpu.memref_slice %arg3[%add3A, %dma_start3A_13, %dma_start3A_14, %dma_start3A_15] : memref<32x79x1x128xi32, #tpu.memory_space<hbm>> -> memref<1x1x1x128xi32, #tpu.memory_space<hbm>>
    %dma_start3A_17 = tpu.memref_squeeze %dma_start3A_16 : memref<1x1x1x128xi32, #tpu.memory_space<hbm>> -> memref<1x128xi32, #tpu.memory_space<hbm>>
    %dma_start3A_18 = arith.constant 0 : i32
    %dma_start3A_19 = arith.constant 0 : i32
    %dma_start3A_20 = tpu.memref_slice %arg3[%add3A, %dma_start3A_13, %dma_start3A_18, %dma_start3A_19] : memref<32x79x1x128xi32, #tpu.memory_space<hbm>> -> memref<1x1x1x128xi32, #tpu.memory_space<hbm>>
    %dma_start3A_21 = tpu.memref_squeeze %dma_start3A_20 : memref<1x1x1x128xi32, #tpu.memory_space<hbm>> -> memref<1x128xi32, #tpu.memory_space<hbm>>
    tpu.enqueue_dma source(%dma_start3A_21 : memref<1x128xi32, #tpu.memory_space<hbm>>) target(%arg8 : memref<1x128xi32, #tpu.memory_space<vmem>>) target_semaphore(%arg24 : memref<!tpu.dma_semaphore, #tpu.memory_space<semaphore_mem>>)
    %dma_start3A_22 = arith.constant 0 : i32
    %dma_start3A_23 = arith.constant 0 : i32
    %dma_start3A_24 = arith.constant 0 : i32
    %dma_start3A_25 = tpu.memref_slice %arg4[%add3A, %dma_start3A_22, %dma_start3A_23, %dma_start3A_24] : memref<32x79x1x128xi32, #tpu.memory_space<hbm>> -> memref<1x1x1x128xi32, #tpu.memory_space<hbm>>
    %dma_start3A_26 = tpu.memref_squeeze %dma_start3A_25 : memref<1x1x1x128xi32, #tpu.memory_space<hbm>> -> memref<1x128xi32, #tpu.memory_space<hbm>>
    %dma_start3A_27 = arith.constant 0 : i32
    %dma_start3A_28 = arith.constant 0 : i32
    %dma_start3A_29 = tpu.memref_slice %arg4[%add3A, %dma_start3A_22, %dma_start3A_27, %dma_start3A_28] : memref<32x79x1x128xi32, #tpu.memory_space<hbm>> -> memref<1x1x1x128xi32, #tpu.memory_space<hbm>>
    %dma_start3A_30 = tpu.memref_squeeze %dma_start3A_29 : memref<1x1x1x128xi32, #tpu.memory_space<hbm>> -> memref<1x128xi32, #tpu.memory_space<hbm>>
    tpu.enqueue_dma source(%dma_start3A_30 : memref<1x128xi32, #tpu.memory_space<hbm>>) target(%arg10 : memref<1x128xi32, #tpu.memory_space<vmem>>) target_semaphore(%arg26 : memref<!tpu.dma_semaphore, #tpu.memory_space<semaphore_mem>>)
    %scan3A = arith.constant 0 : i32
    %scan3A_31 = arith.constant 0 : i32
    %scan3A_32 = arith.constant 27 : i32
    %scan3A_33 = arith.addi %scan3A_31, %scan3A_32 : i32
    %scan3A_34 = arith.constant 1 : i32
    scf.for %scan3A_41 = %scan3A_31 to %scan3A_33 step %scan3A_34  : i32 {
      %mul3A_42 = arith.constant 3 : i32
      %mul3A_43 = arith.muli %mul3A_42, %scan3A_41 : i32
      %add3A_44 = arith.constant 0 : i32
      %add3A_45 = arith.addi %mul3A_43, %add3A_44 : i32
      %ge3A = arith.constant 2 : i32
      %ge3A_46 = arith.cmpi sge, %add3A_45, %ge3A : i32
      %sub3A = arith.constant 2 : i32
      %sub3A_47 = arith.subi %add3A_45, %sub3A : i32
      %lt3A = arith.constant 79 : i32
      %lt3A_48 = arith.cmpi slt, %sub3A_47, %lt3A : i32
      %and3A = arith.andi %ge3A_46, %lt3A_48 : i1
      %convert_element_type3A = arith.extui %and3A : i1 to i32
      %cond3A = arith.constant 0 : i32
      %cond3A_49 = arith.cmpi ne, %convert_element_type3A, %cond3A : i32
      scf.if %cond3A_49 {
        %dma_wait3A = arith.constant 0 : i32
        %dma_wait3A_161 = arith.constant 0 : i32
        %dma_wait3A_162 = tpu.memref_slice %arg11[%dma_wait3A, %dma_wait3A_161] : memref<1x128xi32, #tpu.memory_space<vmem>> -> memref<1x128xi32, #tpu.memory_space<vmem>>
        %dma_wait3A_163 = tpu.memref_squeeze %dma_wait3A_162 : memref<1x128xi32, #tpu.memory_space<vmem>> -> memref<128xi32, #tpu.memory_space<vmem>>
        %dma_wait3A_164 = arith.constant 0 : i32
        %dma_wait3A_165 = arith.constant 0 : i32
        %dma_wait3A_166 = tpu.memref_slice %arg16[%dma_wait3A_164, %dma_wait3A_165] : memref<10112x128xf32, #tpu.memory_space<vmem_shared>> -> memref<10112x128xf32, #tpu.memory_space<vmem_shared>>
        tpu.wait_indirect_dma semaphore(%arg21 : memref<!tpu.dma_semaphore, #tpu.memory_space<semaphore_mem>>) src(%arg14 : memref<128x128xf32, #tpu.memory_space<vmem>>) dst(%dma_wait3A_166 : memref<10112x128xf32, #tpu.memory_space<vmem_shared>>)
      } else {
      }
      %add3A_50 = arith.constant 1 : i32
      %add3A_51 = arith.addi %add3A_45, %add3A_50 : i32
      %lt3A_52 = arith.constant 79 : i32
      %lt3A_53 = arith.cmpi slt, %add3A_51, %lt3A_52 : i32
      %convert_element_type3A_54 = arith.extui %lt3A_53 : i1 to i32
      %cond3A_55 = arith.constant 0 : i32
      %cond3A_56 = arith.cmpi ne, %convert_element_type3A_54, %cond3A_55 : i32
      scf.if %cond3A_56 {
        %add3A_161 = arith.constant 1 : i32
        %add3A_162 = arith.addi %add3A_45, %add3A_161 : i32
        %dma_start3A_163 = arith.constant 0 : i32
        %dma_start3A_164 = arith.constant 0 : i32
        %dma_start3A_165 = tpu.memref_slice %arg4[%add3A, %add3A_162, %dma_start3A_163, %dma_start3A_164] : memref<32x79x1x128xi32, #tpu.memory_space<hbm>> -> memref<1x1x1x128xi32, #tpu.memory_space<hbm>>
        %dma_start3A_166 = tpu.memref_squeeze %dma_start3A_165 : memref<1x1x1x128xi32, #tpu.memory_space<hbm>> -> memref<1x128xi32, #tpu.memory_space<hbm>>
        %dma_start3A_167 = arith.constant 0 : i32
        %dma_start3A_168 = arith.constant 0 : i32
        %dma_start3A_169 = tpu.memref_slice %arg4[%add3A, %add3A_162, %dma_start3A_167, %dma_start3A_168] : memref<32x79x1x128xi32, #tpu.memory_space<hbm>> -> memref<1x1x1x128xi32, #tpu.memory_space<hbm>>
        %dma_start3A_170 = tpu.memref_squeeze %dma_start3A_169 : memref<1x1x1x128xi32, #tpu.memory_space<hbm>> -> memref<1x128xi32, #tpu.memory_space<hbm>>
        tpu.enqueue_dma source(%dma_start3A_170 : memref<1x128xi32, #tpu.memory_space<hbm>>) target(%arg11 : memref<1x128xi32, #tpu.memory_space<vmem>>) target_semaphore(%arg27 : memref<!tpu.dma_semaphore, #tpu.memory_space<semaphore_mem>>)
      } else {
      }
      %lt3A_57 = arith.constant 79 : i32
      %lt3A_58 = arith.cmpi slt, %add3A_45, %lt3A_57 : i32
      %convert_element_type3A_59 = arith.extui %lt3A_58 : i1 to i32
      %cond3A_60 = arith.constant 0 : i32
      %cond3A_61 = arith.cmpi ne, %convert_element_type3A_59, %cond3A_60 : i32
      scf.if %cond3A_61 {
        %dma_wait3A = arith.constant 0 : i32
        %dma_wait3A_161 = arith.constant 0 : i32
        %dma_wait3A_162 = tpu.memref_slice %arg3[%add3A, %add3A_45, %dma_wait3A, %dma_wait3A_161] : memref<32x79x1x128xi32, #tpu.memory_space<hbm>> -> memref<1x1x1x128xi32, #tpu.memory_space<hbm>>
        %dma_wait3A_163 = tpu.memref_squeeze %dma_wait3A_162 : memref<1x1x1x128xi32, #tpu.memory_space<hbm>> -> memref<1x128xi32, #tpu.memory_space<hbm>>
        %dma_wait3A_164 = arith.constant 0 : i32
        %dma_wait3A_165 = arith.constant 0 : i32
        %dma_wait3A_166 = tpu.memref_slice %arg3[%add3A, %add3A_45, %dma_wait3A_164, %dma_wait3A_165] : memref<32x79x1x128xi32, #tpu.memory_space<hbm>> -> memref<1x1x1x128xi32, #tpu.memory_space<hbm>>
        %dma_wait3A_167 = tpu.memref_squeeze %dma_wait3A_166 : memref<1x1x1x128xi32, #tpu.memory_space<hbm>> -> memref<1x128xi32, #tpu.memory_space<hbm>>
        tpu.wait_dma2 semaphore(%arg23 : memref<!tpu.dma_semaphore, #tpu.memory_space<semaphore_mem>>) src(%dma_wait3A_167 : memref<1x128xi32, #tpu.memory_space<hbm>>) dst(%arg7 : memref<1x128xi32, #tpu.memory_space<vmem>>)
        %dma_start3A_168 = arith.constant 0 : i32
        %dma_start3A_169 = arith.constant 0 : i32
        %dma_start3A_170 = tpu.memref_slice %arg7[%dma_start3A_168, %dma_start3A_169] : memref<1x128xi32, #tpu.memory_space<vmem>> -> memref<1x128xi32, #tpu.memory_space<vmem>>
        %dma_start3A_171 = tpu.memref_squeeze %dma_start3A_170 : memref<1x128xi32, #tpu.memory_space<vmem>> -> memref<128xi32, #tpu.memory_space<vmem>>
        %dma_start3A_172 = arith.constant 0 : i32
        %dma_start3A_173 = arith.constant 0 : i32
        %dma_start3A_174 = tpu.memref_slice %arg2[%dma_start3A_172, %dma_start3A_173] : memref<10112x128xf32, #tpu.memory_space<hbm>> -> memref<10112x128xf32, #tpu.memory_space<hbm>>
        tpu.enqueue_indirect_dma source(%dma_start3A_174 : memref<10112x128xf32, #tpu.memory_space<hbm>>) target(%arg13 : memref<128x128xf32, #tpu.memory_space<vmem>>) offsets(%dma_start3A_171 : memref<128xi32, #tpu.memory_space<vmem>>) semaphore(%arg17 : memref<!tpu.dma_semaphore, #tpu.memory_space<semaphore_mem>>)
      } else {
      }
      %ge3A_62 = arith.constant 1 : i32
      %ge3A_63 = arith.cmpi sge, %add3A_45, %ge3A_62 : i32
      %sub3A_64 = arith.constant 1 : i32
      %sub3A_65 = arith.subi %add3A_45, %sub3A_64 : i32
      %lt3A_66 = arith.constant 79 : i32
      %lt3A_67 = arith.cmpi slt, %sub3A_65, %lt3A_66 : i32
      %and3A_68 = arith.andi %ge3A_63, %lt3A_67 : i1
      %convert_element_type3A_69 = arith.extui %and3A_68 : i1 to i32
      %cond3A_70 = arith.constant 0 : i32
      %cond3A_71 = arith.cmpi ne, %convert_element_type3A_69, %cond3A_70 : i32
      scf.if %cond3A_71 {
        %dma_wait3A = arith.constant 0 : i32
        %dma_wait3A_161 = arith.constant 0 : i32
        %dma_wait3A_162 = tpu.memref_slice %arg9[%dma_wait3A, %dma_wait3A_161] : memref<1x128xi32, #tpu.memory_space<vmem>> -> memref<1x128xi32, #tpu.memory_space<vmem>>
        %dma_wait3A_163 = tpu.memref_squeeze %dma_wait3A_162 : memref<1x128xi32, #tpu.memory_space<vmem>> -> memref<128xi32, #tpu.memory_space<vmem>>
        %dma_wait3A_164 = arith.constant 0 : i32
        %dma_wait3A_165 = arith.constant 0 : i32
        %dma_wait3A_166 = tpu.memref_slice %arg2[%dma_wait3A_164, %dma_wait3A_165] : memref<10112x128xf32, #tpu.memory_space<hbm>> -> memref<10112x128xf32, #tpu.memory_space<hbm>>
        tpu.wait_indirect_dma semaphore(%arg19 : memref<!tpu.dma_semaphore, #tpu.memory_space<semaphore_mem>>) src(%dma_wait3A_166 : memref<10112x128xf32, #tpu.memory_space<hbm>>) dst(%arg15 : memref<128x128xf32, #tpu.memory_space<vmem>>)
        %sub3A_167 = arith.constant 1 : i32
        %sub3A_168 = arith.subi %add3A_45, %sub3A_167 : i32
        %dma_wait3A_169 = arith.constant 0 : i32
        %dma_wait3A_170 = arith.constant 0 : i32
        %dma_wait3A_171 = tpu.memref_slice %arg4[%add3A, %sub3A_168, %dma_wait3A_169, %dma_wait3A_170] : memref<32x79x1x128xi32, #tpu.memory_space<hbm>> -> memref<1x1x1x128xi32, #tpu.memory_space<hbm>>
        %dma_wait3A_172 = tpu.memref_squeeze %dma_wait3A_171 : memref<1x1x1x128xi32, #tpu.memory_space<hbm>> -> memref<1x128xi32, #tpu.memory_space<hbm>>
        %dma_wait3A_173 = arith.constant 0 : i32
        %dma_wait3A_174 = arith.constant 0 : i32
        %dma_wait3A_175 = tpu.memref_slice %arg4[%add3A, %sub3A_168, %dma_wait3A_173, %dma_wait3A_174] : memref<32x79x1x128xi32, #tpu.memory_space<hbm>> -> memref<1x1x1x128xi32, #tpu.memory_space<hbm>>
        %dma_wait3A_176 = tpu.memref_squeeze %dma_wait3A_175 : memref<1x1x1x128xi32, #tpu.memory_space<hbm>> -> memref<1x128xi32, #tpu.memory_space<hbm>>
        tpu.wait_dma2 semaphore(%arg28 : memref<!tpu.dma_semaphore, #tpu.memory_space<semaphore_mem>>) src(%dma_wait3A_176 : memref<1x128xi32, #tpu.memory_space<hbm>>) dst(%arg12 : memref<1x128xi32, #tpu.memory_space<vmem>>)
        %dma_start3A_177 = arith.constant 0 : i32
        %dma_start3A_178 = arith.constant 0 : i32
        %dma_start3A_179 = tpu.memref_slice %arg12[%dma_start3A_177, %dma_start3A_178] : memref<1x128xi32, #tpu.memory_space<vmem>> -> memref<1x128xi32, #tpu.memory_space<vmem>>
        %dma_start3A_180 = tpu.memref_squeeze %dma_start3A_179 : memref<1x128xi32, #tpu.memory_space<vmem>> -> memref<128xi32, #tpu.memory_space<vmem>>
        %dma_start3A_181 = arith.constant 0 : i32
        %dma_start3A_182 = arith.constant 0 : i32
        %dma_start3A_183 = tpu.memref_slice %arg16[%dma_start3A_181, %dma_start3A_182] : memref<10112x128xf32, #tpu.memory_space<vmem_shared>> -> memref<10112x128xf32, #tpu.memory_space<vmem_shared>>
        tpu.enqueue_indirect_dma source(%arg15 : memref<128x128xf32, #tpu.memory_space<vmem>>) target(%dma_start3A_183 : memref<10112x128xf32, #tpu.memory_space<vmem_shared>>) offsets(%dma_start3A_180 : memref<128xi32, #tpu.memory_space<vmem>>) semaphore(%arg22 : memref<!tpu.dma_semaphore, #tpu.memory_space<semaphore_mem>>) {add = true}
      } else {
      }
      %add3A_72 = arith.constant 2 : i32
      %add3A_73 = arith.addi %add3A_45, %add3A_72 : i32
      %lt3A_74 = arith.constant 79 : i32
      %lt3A_75 = arith.cmpi slt, %add3A_73, %lt3A_74 : i32
      %convert_element_type3A_76 = arith.extui %lt3A_75 : i1 to i32
      %cond3A_77 = arith.constant 0 : i32
      %cond3A_78 = arith.cmpi ne, %convert_element_type3A_76, %cond3A_77 : i32
      scf.if %cond3A_78 {
        %add3A_161 = arith.constant 2 : i32
        %add3A_162 = arith.addi %add3A_45, %add3A_161 : i32
        %dma_start3A_163 = arith.constant 0 : i32
        %dma_start3A_164 = arith.constant 0 : i32
        %dma_start3A_165 = tpu.memref_slice %arg3[%add3A, %add3A_162, %dma_start3A_163, %dma_start3A_164] : memref<32x79x1x128xi32, #tpu.memory_space<hbm>> -> memref<1x1x1x128xi32, #tpu.memory_space<hbm>>
        %dma_start3A_166 = tpu.memref_squeeze %dma_start3A_165 : memref<1x1x1x128xi32, #tpu.memory_space<hbm>> -> memref<1x128xi32, #tpu.memory_space<hbm>>
        %dma_start3A_167 = arith.constant 0 : i32
        %dma_start3A_168 = arith.constant 0 : i32
        %dma_start3A_169 = tpu.memref_slice %arg3[%add3A, %add3A_162, %dma_start3A_167, %dma_start3A_168] : memref<32x79x1x128xi32, #tpu.memory_space<hbm>> -> memref<1x1x1x128xi32, #tpu.memory_space<hbm>>
        %dma_start3A_170 = tpu.memref_squeeze %dma_start3A_169 : memref<1x1x1x128xi32, #tpu.memory_space<hbm>> -> memref<1x128xi32, #tpu.memory_space<hbm>>
        tpu.enqueue_dma source(%dma_start3A_170 : memref<1x128xi32, #tpu.memory_space<hbm>>) target(%arg9 : memref<1x128xi32, #tpu.memory_space<vmem>>) target_semaphore(%arg25 : memref<!tpu.dma_semaphore, #tpu.memory_space<semaphore_mem>>)
      } else {
      }
      %add3A_79 = arith.constant 1 : i32
      %add3A_80 = arith.addi %mul3A_43, %add3A_79 : i32
      %ge3A_81 = arith.constant 2 : i32
      %ge3A_82 = arith.cmpi sge, %add3A_80, %ge3A_81 : i32
      %sub3A_83 = arith.constant 2 : i32
      %sub3A_84 = arith.subi %add3A_80, %sub3A_83 : i32
      %lt3A_85 = arith.constant 79 : i32
      %lt3A_86 = arith.cmpi slt, %sub3A_84, %lt3A_85 : i32
      %and3A_87 = arith.andi %ge3A_82, %lt3A_86 : i1
      %convert_element_type3A_88 = arith.extui %and3A_87 : i1 to i32
      %cond3A_89 = arith.constant 0 : i32
      %cond3A_90 = arith.cmpi ne, %convert_element_type3A_88, %cond3A_89 : i32
      scf.if %cond3A_90 {
        %dma_wait3A = arith.constant 0 : i32
        %dma_wait3A_161 = arith.constant 0 : i32
        %dma_wait3A_162 = tpu.memref_slice %arg12[%dma_wait3A, %dma_wait3A_161] : memref<1x128xi32, #tpu.memory_space<vmem>> -> memref<1x128xi32, #tpu.memory_space<vmem>>
        %dma_wait3A_163 = tpu.memref_squeeze %dma_wait3A_162 : memref<1x128xi32, #tpu.memory_space<vmem>> -> memref<128xi32, #tpu.memory_space<vmem>>
        %dma_wait3A_164 = arith.constant 0 : i32
        %dma_wait3A_165 = arith.constant 0 : i32
        %dma_wait3A_166 = tpu.memref_slice %arg16[%dma_wait3A_164, %dma_wait3A_165] : memref<10112x128xf32, #tpu.memory_space<vmem_shared>> -> memref<10112x128xf32, #tpu.memory_space<vmem_shared>>
        tpu.wait_indirect_dma semaphore(%arg22 : memref<!tpu.dma_semaphore, #tpu.memory_space<semaphore_mem>>) src(%arg15 : memref<128x128xf32, #tpu.memory_space<vmem>>) dst(%dma_wait3A_166 : memref<10112x128xf32, #tpu.memory_space<vmem_shared>>)
      } else {
      }
      %add3A_91 = arith.constant 1 : i32
      %add3A_92 = arith.addi %add3A_80, %add3A_91 : i32
      %lt3A_93 = arith.constant 79 : i32
      %lt3A_94 = arith.cmpi slt, %add3A_92, %lt3A_93 : i32
      %convert_element_type3A_95 = arith.extui %lt3A_94 : i1 to i32
      %cond3A_96 = arith.constant 0 : i32
      %cond3A_97 = arith.cmpi ne, %convert_element_type3A_95, %cond3A_96 : i32
      scf.if %cond3A_97 {
        %add3A_161 = arith.constant 1 : i32
        %add3A_162 = arith.addi %add3A_80, %add3A_161 : i32
        %dma_start3A_163 = arith.constant 0 : i32
        %dma_start3A_164 = arith.constant 0 : i32
        %dma_start3A_165 = tpu.memref_slice %arg4[%add3A, %add3A_162, %dma_start3A_163, %dma_start3A_164] : memref<32x79x1x128xi32, #tpu.memory_space<hbm>> -> memref<1x1x1x128xi32, #tpu.memory_space<hbm>>
        %dma_start3A_166 = tpu.memref_squeeze %dma_start3A_165 : memref<1x1x1x128xi32, #tpu.memory_space<hbm>> -> memref<1x128xi32, #tpu.memory_space<hbm>>
        %dma_start3A_167 = arith.constant 0 : i32
        %dma_start3A_168 = arith.constant 0 : i32
        %dma_start3A_169 = tpu.memref_slice %arg4[%add3A, %add3A_162, %dma_start3A_167, %dma_start3A_168] : memref<32x79x1x128xi32, #tpu.memory_space<hbm>> -> memref<1x1x1x128xi32, #tpu.memory_space<hbm>>
        %dma_start3A_170 = tpu.memref_squeeze %dma_start3A_169 : memref<1x1x1x128xi32, #tpu.memory_space<hbm>> -> memref<1x128xi32, #tpu.memory_space<hbm>>
        tpu.enqueue_dma source(%dma_start3A_170 : memref<1x128xi32, #tpu.memory_space<hbm>>) target(%arg12 : memref<1x128xi32, #tpu.memory_space<vmem>>) target_semaphore(%arg28 : memref<!tpu.dma_semaphore, #tpu.memory_space<semaphore_mem>>)
      } else {
      }
      %lt3A_98 = arith.constant 79 : i32
      %lt3A_99 = arith.cmpi slt, %add3A_80, %lt3A_98 : i32
      %convert_element_type3A_100 = arith.extui %lt3A_99 : i1 to i32
      %cond3A_101 = arith.constant 0 : i32
      %cond3A_102 = arith.cmpi ne, %convert_element_type3A_100, %cond3A_101 : i32
      scf.if %cond3A_102 {
        %dma_wait3A = arith.constant 0 : i32
        %dma_wait3A_161 = arith.constant 0 : i32
        %dma_wait3A_162 = tpu.memref_slice %arg3[%add3A, %add3A_80, %dma_wait3A, %dma_wait3A_161] : memref<32x79x1x128xi32, #tpu.memory_space<hbm>> -> memref<1x1x1x128xi32, #tpu.memory_space<hbm>>
        %dma_wait3A_163 = tpu.memref_squeeze %dma_wait3A_162 : memref<1x1x1x128xi32, #tpu.memory_space<hbm>> -> memref<1x128xi32, #tpu.memory_space<hbm>>
        %dma_wait3A_164 = arith.constant 0 : i32
        %dma_wait3A_165 = arith.constant 0 : i32
        %dma_wait3A_166 = tpu.memref_slice %arg3[%add3A, %add3A_80, %dma_wait3A_164, %dma_wait3A_165] : memref<32x79x1x128xi32, #tpu.memory_space<hbm>> -> memref<1x1x1x128xi32, #tpu.memory_space<hbm>>
        %dma_wait3A_167 = tpu.memref_squeeze %dma_wait3A_166 : memref<1x1x1x128xi32, #tpu.memory_space<hbm>> -> memref<1x128xi32, #tpu.memory_space<hbm>>
        tpu.wait_dma2 semaphore(%arg24 : memref<!tpu.dma_semaphore, #tpu.memory_space<semaphore_mem>>) src(%dma_wait3A_167 : memref<1x128xi32, #tpu.memory_space<hbm>>) dst(%arg8 : memref<1x128xi32, #tpu.memory_space<vmem>>)
        %dma_start3A_168 = arith.constant 0 : i32
        %dma_start3A_169 = arith.constant 0 : i32
        %dma_start3A_170 = tpu.memref_slice %arg8[%dma_start3A_168, %dma_start3A_169] : memref<1x128xi32, #tpu.memory_space<vmem>> -> memref<1x128xi32, #tpu.memory_space<vmem>>
        %dma_start3A_171 = tpu.memref_squeeze %dma_start3A_170 : memref<1x128xi32, #tpu.memory_space<vmem>> -> memref<128xi32, #tpu.memory_space<vmem>>
        %dma_start3A_172 = arith.constant 0 : i32
        %dma_start3A_173 = arith.constant 0 : i32
        %dma_start3A_174 = tpu.memref_slice %arg2[%dma_start3A_172, %dma_start3A_173] : memref<10112x128xf32, #tpu.memory_space<hbm>> -> memref<10112x128xf32, #tpu.memory_space<hbm>>
        tpu.enqueue_indirect_dma source(%dma_start3A_174 : memref<10112x128xf32, #tpu.memory_space<hbm>>) target(%arg14 : memref<128x128xf32, #tpu.memory_space<vmem>>) offsets(%dma_start3A_171 : memref<128xi32, #tpu.memory_space<vmem>>) semaphore(%arg18 : memref<!tpu.dma_semaphore, #tpu.memory_space<semaphore_mem>>)
      } else {
      }
      %ge3A_103 = arith.constant 1 : i32
      %ge3A_104 = arith.cmpi sge, %add3A_80, %ge3A_103 : i32
      %sub3A_105 = arith.constant 1 : i32
      %sub3A_106 = arith.subi %add3A_80, %sub3A_105 : i32
      %lt3A_107 = arith.constant 79 : i32
      %lt3A_108 = arith.cmpi slt, %sub3A_106, %lt3A_107 : i32
      %and3A_109 = arith.andi %ge3A_104, %lt3A_108 : i1
      %convert_element_type3A_110 = arith.extui %and3A_109 : i1 to i32
      %cond3A_111 = arith.constant 0 : i32
      %cond3A_112 = arith.cmpi ne, %convert_element_type3A_110, %cond3A_111 : i32
      scf.if %cond3A_112 {
        %dma_wait3A = arith.constant 0 : i32
        %dma_wait3A_161 = arith.constant 0 : i32
        %dma_wait3A_162 = tpu.memref_slice %arg7[%dma_wait3A, %dma_wait3A_161] : memref<1x128xi32, #tpu.memory_space<vmem>> -> memref<1x128xi32, #tpu.memory_space<vmem>>
        %dma_wait3A_163 = tpu.memref_squeeze %dma_wait3A_162 : memref<1x128xi32, #tpu.memory_space<vmem>> -> memref<128xi32, #tpu.memory_space<vmem>>
        %dma_wait3A_164 = arith.constant 0 : i32
        %dma_wait3A_165 = arith.constant 0 : i32
        %dma_wait3A_166 = tpu.memref_slice %arg2[%dma_wait3A_164, %dma_wait3A_165] : memref<10112x128xf32, #tpu.memory_space<hbm>> -> memref<10112x128xf32, #tpu.memory_space<hbm>>
        tpu.wait_indirect_dma semaphore(%arg17 : memref<!tpu.dma_semaphore, #tpu.memory_space<semaphore_mem>>) src(%dma_wait3A_166 : memref<10112x128xf32, #tpu.memory_space<hbm>>) dst(%arg13 : memref<128x128xf32, #tpu.memory_space<vmem>>)
        %sub3A_167 = arith.constant 1 : i32
        %sub3A_168 = arith.subi %add3A_80, %sub3A_167 : i32
        %dma_wait3A_169 = arith.constant 0 : i32
        %dma_wait3A_170 = arith.constant 0 : i32
        %dma_wait3A_171 = tpu.memref_slice %arg4[%add3A, %sub3A_168, %dma_wait3A_169, %dma_wait3A_170] : memref<32x79x1x128xi32, #tpu.memory_space<hbm>> -> memref<1x1x1x128xi32, #tpu.memory_space<hbm>>
        %dma_wait3A_172 = tpu.memref_squeeze %dma_wait3A_171 : memref<1x1x1x128xi32, #tpu.memory_space<hbm>> -> memref<1x128xi32, #tpu.memory_space<hbm>>
        %dma_wait3A_173 = arith.constant 0 : i32
        %dma_wait3A_174 = arith.constant 0 : i32
        %dma_wait3A_175 = tpu.memref_slice %arg4[%add3A, %sub3A_168, %dma_wait3A_173, %dma_wait3A_174] : memref<32x79x1x128xi32, #tpu.memory_space<hbm>> -> memref<1x1x1x128xi32, #tpu.memory_space<hbm>>
        %dma_wait3A_176 = tpu.memref_squeeze %dma_wait3A_175 : memref<1x1x1x128xi32, #tpu.memory_space<hbm>> -> memref<1x128xi32, #tpu.memory_space<hbm>>
        tpu.wait_dma2 semaphore(%arg26 : memref<!tpu.dma_semaphore, #tpu.memory_space<semaphore_mem>>) src(%dma_wait3A_176 : memref<1x128xi32, #tpu.memory_space<hbm>>) dst(%arg10 : memref<1x128xi32, #tpu.memory_space<vmem>>)
        %dma_start3A_177 = arith.constant 0 : i32
        %dma_start3A_178 = arith.constant 0 : i32
        %dma_start3A_179 = tpu.memref_slice %arg10[%dma_start3A_177, %dma_start3A_178] : memref<1x128xi32, #tpu.memory_space<vmem>> -> memref<1x128xi32, #tpu.memory_space<vmem>>
        %dma_start3A_180 = tpu.memref_squeeze %dma_start3A_179 : memref<1x128xi32, #tpu.memory_space<vmem>> -> memref<128xi32, #tpu.memory_space<vmem>>
        %dma_start3A_181 = arith.constant 0 : i32
        %dma_start3A_182 = arith.constant 0 : i32
        %dma_start3A_183 = tpu.memref_slice %arg16[%dma_start3A_181, %dma_start3A_182] : memref<10112x128xf32, #tpu.memory_space<vmem_shared>> -> memref<10112x128xf32, #tpu.memory_space<vmem_shared>>
        tpu.enqueue_indirect_dma source(%arg13 : memref<128x128xf32, #tpu.memory_space<vmem>>) target(%dma_start3A_183 : memref<10112x128xf32, #tpu.memory_space<vmem_shared>>) offsets(%dma_start3A_180 : memref<128xi32, #tpu.memory_space<vmem>>) semaphore(%arg20 : memref<!tpu.dma_semaphore, #tpu.memory_space<semaphore_mem>>) {add = true}
      } else {
      }
      %add3A_113 = arith.constant 2 : i32
      %add3A_114 = arith.addi %add3A_80, %add3A_113 : i32
      %lt3A_115 = arith.constant 79 : i32
      %lt3A_116 = arith.cmpi slt, %add3A_114, %lt3A_115 : i32
      %convert_element_type3A_117 = arith.extui %lt3A_116 : i1 to i32
      %cond3A_118 = arith.constant 0 : i32
      %cond3A_119 = arith.cmpi ne, %convert_element_type3A_117, %cond3A_118 : i32
      scf.if %cond3A_119 {
        %add3A_161 = arith.constant 2 : i32
        %add3A_162 = arith.addi %add3A_80, %add3A_161 : i32
        %dma_start3A_163 = arith.constant 0 : i32
        %dma_start3A_164 = arith.constant 0 : i32
        %dma_start3A_165 = tpu.memref_slice %arg3[%add3A, %add3A_162, %dma_start3A_163, %dma_start3A_164] : memref<32x79x1x128xi32, #tpu.memory_space<hbm>> -> memref<1x1x1x128xi32, #tpu.memory_space<hbm>>
        %dma_start3A_166 = tpu.memref_squeeze %dma_start3A_165 : memref<1x1x1x128xi32, #tpu.memory_space<hbm>> -> memref<1x128xi32, #tpu.memory_space<hbm>>
        %dma_start3A_167 = arith.constant 0 : i32
        %dma_start3A_168 = arith.constant 0 : i32
        %dma_start3A_169 = tpu.memref_slice %arg3[%add3A, %add3A_162, %dma_start3A_167, %dma_start3A_168] : memref<32x79x1x128xi32, #tpu.memory_space<hbm>> -> memref<1x1x1x128xi32, #tpu.memory_space<hbm>>
        %dma_start3A_170 = tpu.memref_squeeze %dma_start3A_169 : memref<1x1x1x128xi32, #tpu.memory_space<hbm>> -> memref<1x128xi32, #tpu.memory_space<hbm>>
        tpu.enqueue_dma source(%dma_start3A_170 : memref<1x128xi32, #tpu.memory_space<hbm>>) target(%arg7 : memref<1x128xi32, #tpu.memory_space<vmem>>) target_semaphore(%arg23 : memref<!tpu.dma_semaphore, #tpu.memory_space<semaphore_mem>>)
      } else {
      }
      %add3A_120 = arith.constant 2 : i32
      %add3A_121 = arith.addi %mul3A_43, %add3A_120 : i32
      %ge3A_122 = arith.constant 2 : i32
      %ge3A_123 = arith.cmpi sge, %add3A_121, %ge3A_122 : i32
      %sub3A_124 = arith.constant 2 : i32
      %sub3A_125 = arith.subi %add3A_121, %sub3A_124 : i32
      %lt3A_126 = arith.constant 79 : i32
      %lt3A_127 = arith.cmpi slt, %sub3A_125, %lt3A_126 : i32
      %and3A_128 = arith.andi %ge3A_123, %lt3A_127 : i1
      %convert_element_type3A_129 = arith.extui %and3A_128 : i1 to i32
      %cond3A_130 = arith.constant 0 : i32
      %cond3A_131 = arith.cmpi ne, %convert_element_type3A_129, %cond3A_130 : i32
      scf.if %cond3A_131 {
        %dma_wait3A = arith.constant 0 : i32
        %dma_wait3A_161 = arith.constant 0 : i32
        %dma_wait3A_162 = tpu.memref_slice %arg10[%dma_wait3A, %dma_wait3A_161] : memref<1x128xi32, #tpu.memory_space<vmem>> -> memref<1x128xi32, #tpu.memory_space<vmem>>
        %dma_wait3A_163 = tpu.memref_squeeze %dma_wait3A_162 : memref<1x128xi32, #tpu.memory_space<vmem>> -> memref<128xi32, #tpu.memory_space<vmem>>
        %dma_wait3A_164 = arith.constant 0 : i32
        %dma_wait3A_165 = arith.constant 0 : i32
        %dma_wait3A_166 = tpu.memref_slice %arg16[%dma_wait3A_164, %dma_wait3A_165] : memref<10112x128xf32, #tpu.memory_space<vmem_shared>> -> memref<10112x128xf32, #tpu.memory_space<vmem_shared>>
        tpu.wait_indirect_dma semaphore(%arg20 : memref<!tpu.dma_semaphore, #tpu.memory_space<semaphore_mem>>) src(%arg13 : memref<128x128xf32, #tpu.memory_space<vmem>>) dst(%dma_wait3A_166 : memref<10112x128xf32, #tpu.memory_space<vmem_shared>>)
      } else {
      }
      %add3A_132 = arith.constant 1 : i32
      %add3A_133 = arith.addi %add3A_121, %add3A_132 : i32
      %lt3A_134 = arith.constant 79 : i32
      %lt3A_135 = arith.cmpi slt, %add3A_133, %lt3A_134 : i32
      %convert_element_type3A_136 = arith.extui %lt3A_135 : i1 to i32
      %cond3A_137 = arith.constant 0 : i32
      %cond3A_138 = arith.cmpi ne, %convert_element_type3A_136, %cond3A_137 : i32
      scf.if %cond3A_138 {
        %add3A_161 = arith.constant 1 : i32
        %add3A_162 = arith.addi %add3A_121, %add3A_161 : i32
        %dma_start3A_163 = arith.constant 0 : i32
        %dma_start3A_164 = arith.constant 0 : i32
        %dma_start3A_165 = tpu.memref_slice %arg4[%add3A, %add3A_162, %dma_start3A_163, %dma_start3A_164] : memref<32x79x1x128xi32, #tpu.memory_space<hbm>> -> memref<1x1x1x128xi32, #tpu.memory_space<hbm>>
        %dma_start3A_166 = tpu.memref_squeeze %dma_start3A_165 : memref<1x1x1x128xi32, #tpu.memory_space<hbm>> -> memref<1x128xi32, #tpu.memory_space<hbm>>
        %dma_start3A_167 = arith.constant 0 : i32
        %dma_start3A_168 = arith.constant 0 : i32
        %dma_start3A_169 = tpu.memref_slice %arg4[%add3A, %add3A_162, %dma_start3A_167, %dma_start3A_168] : memref<32x79x1x128xi32, #tpu.memory_space<hbm>> -> memref<1x1x1x128xi32, #tpu.memory_space<hbm>>
        %dma_start3A_170 = tpu.memref_squeeze %dma_start3A_169 : memref<1x1x1x128xi32, #tpu.memory_space<hbm>> -> memref<1x128xi32, #tpu.memory_space<hbm>>
        tpu.enqueue_dma source(%dma_start3A_170 : memref<1x128xi32, #tpu.memory_space<hbm>>) target(%arg10 : memref<1x128xi32, #tpu.memory_space<vmem>>) target_semaphore(%arg26 : memref<!tpu.dma_semaphore, #tpu.memory_space<semaphore_mem>>)
      } else {
      }
      %lt3A_139 = arith.constant 79 : i32
      %lt3A_140 = arith.cmpi slt, %add3A_121, %lt3A_139 : i32
      %convert_element_type3A_141 = arith.extui %lt3A_140 : i1 to i32
      %cond3A_142 = arith.constant 0 : i32
      %cond3A_143 = arith.cmpi ne, %convert_element_type3A_141, %cond3A_142 : i32
      scf.if %cond3A_143 {
        %dma_wait3A = arith.constant 0 : i32
        %dma_wait3A_161 = arith.constant 0 : i32
        %dma_wait3A_162 = tpu.memref_slice %arg3[%add3A, %add3A_121, %dma_wait3A, %dma_wait3A_161] : memref<32x79x1x128xi32, #tpu.memory_space<hbm>> -> memref<1x1x1x128xi32, #tpu.memory_space<hbm>>
        %dma_wait3A_163 = tpu.memref_squeeze %dma_wait3A_162 : memref<1x1x1x128xi32, #tpu.memory_space<hbm>> -> memref<1x128xi32, #tpu.memory_space<hbm>>
        %dma_wait3A_164 = arith.constant 0 : i32
        %dma_wait3A_165 = arith.constant 0 : i32
        %dma_wait3A_166 = tpu.memref_slice %arg3[%add3A, %add3A_121, %dma_wait3A_164, %dma_wait3A_165] : memref<32x79x1x128xi32, #tpu.memory_space<hbm>> -> memref<1x1x1x128xi32, #tpu.memory_space<hbm>>
        %dma_wait3A_167 = tpu.memref_squeeze %dma_wait3A_166 : memref<1x1x1x128xi32, #tpu.memory_space<hbm>> -> memref<1x128xi32, #tpu.memory_space<hbm>>
        tpu.wait_dma2 semaphore(%arg25 : memref<!tpu.dma_semaphore, #tpu.memory_space<semaphore_mem>>) src(%dma_wait3A_167 : memref<1x128xi32, #tpu.memory_space<hbm>>) dst(%arg9 : memref<1x128xi32, #tpu.memory_space<vmem>>)
        %dma_start3A_168 = arith.constant 0 : i32
        %dma_start3A_169 = arith.constant 0 : i32
        %dma_start3A_170 = tpu.memref_slice %arg9[%dma_start3A_168, %dma_start3A_169] : memref<1x128xi32, #tpu.memory_space<vmem>> -> memref<1x128xi32, #tpu.memory_space<vmem>>
        %dma_start3A_171 = tpu.memref_squeeze %dma_start3A_170 : memref<1x128xi32, #tpu.memory_space<vmem>> -> memref<128xi32, #tpu.memory_space<vmem>>
        %dma_start3A_172 = arith.constant 0 : i32
        %dma_start3A_173 = arith.constant 0 : i32
        %dma_start3A_174 = tpu.memref_slice %arg2[%dma_start3A_172, %dma_start3A_173] : memref<10112x128xf32, #tpu.memory_space<hbm>> -> memref<10112x128xf32, #tpu.memory_space<hbm>>
        tpu.enqueue_indirect_dma source(%dma_start3A_174 : memref<10112x128xf32, #tpu.memory_space<hbm>>) target(%arg15 : memref<128x128xf32, #tpu.memory_space<vmem>>) offsets(%dma_start3A_171 : memref<128xi32, #tpu.memory_space<vmem>>) semaphore(%arg19 : memref<!tpu.dma_semaphore, #tpu.memory_space<semaphore_mem>>)
      } else {
      }
      %ge3A_144 = arith.constant 1 : i32
      %ge3A_145 = arith.cmpi sge, %add3A_121, %ge3A_144 : i32
      %sub3A_146 = arith.constant 1 : i32
      %sub3A_147 = arith.subi %add3A_121, %sub3A_146 : i32
      %lt3A_148 = arith.constant 79 : i32
      %lt3A_149 = arith.cmpi slt, %sub3A_147, %lt3A_148 : i32
      %and3A_150 = arith.andi %ge3A_145, %lt3A_149 : i1
      %convert_element_type3A_151 = arith.extui %and3A_150 : i1 to i32
      %cond3A_152 = arith.constant 0 : i32
      %cond3A_153 = arith.cmpi ne, %convert_element_type3A_151, %cond3A_152 : i32
      scf.if %cond3A_153 {
        %dma_wait3A = arith.constant 0 : i32
        %dma_wait3A_161 = arith.constant 0 : i32
        %dma_wait3A_162 = tpu.memref_slice %arg8[%dma_wait3A, %dma_wait3A_161] : memref<1x128xi32, #tpu.memory_space<vmem>> -> memref<1x128xi32, #tpu.memory_space<vmem>>
        %dma_wait3A_163 = tpu.memref_squeeze %dma_wait3A_162 : memref<1x128xi32, #tpu.memory_space<vmem>> -> memref<128xi32, #tpu.memory_space<vmem>>
        %dma_wait3A_164 = arith.constant 0 : i32
        %dma_wait3A_165 = arith.constant 0 : i32
        %dma_wait3A_166 = tpu.memref_slice %arg2[%dma_wait3A_164, %dma_wait3A_165] : memref<10112x128xf32, #tpu.memory_space<hbm>> -> memref<10112x128xf32, #tpu.memory_space<hbm>>
        tpu.wait_indirect_dma semaphore(%arg18 : memref<!tpu.dma_semaphore, #tpu.memory_space<semaphore_mem>>) src(%dma_wait3A_166 : memref<10112x128xf32, #tpu.memory_space<hbm>>) dst(%arg14 : memref<128x128xf32, #tpu.memory_space<vmem>>)
        %sub3A_167 = arith.constant 1 : i32
        %sub3A_168 = arith.subi %add3A_121, %sub3A_167 : i32
        %dma_wait3A_169 = arith.constant 0 : i32
        %dma_wait3A_170 = arith.constant 0 : i32
        %dma_wait3A_171 = tpu.memref_slice %arg4[%add3A, %sub3A_168, %dma_wait3A_169, %dma_wait3A_170] : memref<32x79x1x128xi32, #tpu.memory_space<hbm>> -> memref<1x1x1x128xi32, #tpu.memory_space<hbm>>
        %dma_wait3A_172 = tpu.memref_squeeze %dma_wait3A_171 : memref<1x1x1x128xi32, #tpu.memory_space<hbm>> -> memref<1x128xi32, #tpu.memory_space<hbm>>
        %dma_wait3A_173 = arith.constant 0 : i32
        %dma_wait3A_174 = arith.constant 0 : i32
        %dma_wait3A_175 = tpu.memref_slice %arg4[%add3A, %sub3A_168, %dma_wait3A_173, %dma_wait3A_174] : memref<32x79x1x128xi32, #tpu.memory_space<hbm>> -> memref<1x1x1x128xi32, #tpu.memory_space<hbm>>
        %dma_wait3A_176 = tpu.memref_squeeze %dma_wait3A_175 : memref<1x1x1x128xi32, #tpu.memory_space<hbm>> -> memref<1x128xi32, #tpu.memory_space<hbm>>
        tpu.wait_dma2 semaphore(%arg27 : memref<!tpu.dma_semaphore, #tpu.memory_space<semaphore_mem>>) src(%dma_wait3A_176 : memref<1x128xi32, #tpu.memory_space<hbm>>) dst(%arg11 : memref<1x128xi32, #tpu.memory_space<vmem>>)
        %dma_start3A_177 = arith.constant 0 : i32
        %dma_start3A_178 = arith.constant 0 : i32
        %dma_start3A_179 = tpu.memref_slice %arg11[%dma_start3A_177, %dma_start3A_178] : memref<1x128xi32, #tpu.memory_space<vmem>> -> memref<1x128xi32, #tpu.memory_space<vmem>>
        %dma_start3A_180 = tpu.memref_squeeze %dma_start3A_179 : memref<1x128xi32, #tpu.memory_space<vmem>> -> memref<128xi32, #tpu.memory_space<vmem>>
        %dma_start3A_181 = arith.constant 0 : i32
        %dma_start3A_182 = arith.constant 0 : i32
        %dma_start3A_183 = tpu.memref_slice %arg16[%dma_start3A_181, %dma_start3A_182] : memref<10112x128xf32, #tpu.memory_space<vmem_shared>> -> memref<10112x128xf32, #tpu.memory_space<vmem_shared>>
        tpu.enqueue_indirect_dma source(%arg14 : memref<128x128xf32, #tpu.memory_space<vmem>>) target(%dma_start3A_183 : memref<10112x128xf32, #tpu.memory_space<vmem_shared>>) offsets(%dma_start3A_180 : memref<128xi32, #tpu.memory_space<vmem>>) semaphore(%arg21 : memref<!tpu.dma_semaphore, #tpu.memory_space<semaphore_mem>>) {add = true}
      } else {
      }
      %add3A_154 = arith.constant 2 : i32
      %add3A_155 = arith.addi %add3A_121, %add3A_154 : i32
      %lt3A_156 = arith.constant 79 : i32
      %lt3A_157 = arith.cmpi slt, %add3A_155, %lt3A_156 : i32
      %convert_element_type3A_158 = arith.extui %lt3A_157 : i1 to i32
      %cond3A_159 = arith.constant 0 : i32
      %cond3A_160 = arith.cmpi ne, %convert_element_type3A_158, %cond3A_159 : i32
      scf.if %cond3A_160 {
        %add3A_161 = arith.constant 2 : i32
        %add3A_162 = arith.addi %add3A_121, %add3A_161 : i32
        %dma_start3A_163 = arith.constant 0 : i32
        %dma_start3A_164 = arith.constant 0 : i32
        %dma_start3A_165 = tpu.memref_slice %arg3[%add3A, %add3A_162, %dma_start3A_163, %dma_start3A_164] : memref<32x79x1x128xi32, #tpu.memory_space<hbm>> -> memref<1x1x1x128xi32, #tpu.memory_space<hbm>>
        %dma_start3A_166 = tpu.memref_squeeze %dma_start3A_165 : memref<1x1x1x128xi32, #tpu.memory_space<hbm>> -> memref<1x128xi32, #tpu.memory_space<hbm>>
        %dma_start3A_167 = arith.constant 0 : i32
        %dma_start3A_168 = arith.constant 0 : i32
        %dma_start3A_169 = tpu.memref_slice %arg3[%add3A, %add3A_162, %dma_start3A_167, %dma_start3A_168] : memref<32x79x1x128xi32, #tpu.memory_space<hbm>> -> memref<1x1x1x128xi32, #tpu.memory_space<hbm>>
        %dma_start3A_170 = tpu.memref_squeeze %dma_start3A_169 : memref<1x1x1x128xi32, #tpu.memory_space<hbm>> -> memref<1x128xi32, #tpu.memory_space<hbm>>
        tpu.enqueue_dma source(%dma_start3A_170 : memref<1x128xi32, #tpu.memory_space<hbm>>) target(%arg8 : memref<1x128xi32, #tpu.memory_space<vmem>>) target_semaphore(%arg24 : memref<!tpu.dma_semaphore, #tpu.memory_space<semaphore_mem>>)
      } else {
      }
    }
    %scan3A_35 = arith.constant 27 : i32
    %barrier3A_36 = arith.constant 0 : index
    tpu.barrier barrier_id(%barrier3A_36)
    %mul3A_37 = arith.constant 632 : i32
    %mul3A_38 = arith.muli %arg1, %mul3A_37 : i32
    %mul3A_39 = arith.constant 632 : i32
    %mul3A_40 = arith.muli %arg1, %mul3A_39 : i32
    "tpu.region"() ({
      %run_scoped3A = tpu.sem_alloc : memref<!tpu.dma_semaphore, #tpu.memory_space<semaphore_mem>>
      %dma_start3A_41 = arith.constant 0 : i32
      %dma_start3A_42 = tpu.memref_slice %arg6[%arg0, %mul3A_40, %dma_start3A_41] : memref<2x10112x128xf32, #tpu.memory_space<hbm>> -> memref<1x632x128xf32, #tpu.memory_space<hbm>>
      %dma_start3A_43 = tpu.memref_squeeze %dma_start3A_42 : memref<1x632x128xf32, #tpu.memory_space<hbm>> -> memref<632x128xf32, #tpu.memory_space<hbm>>
      %dma_start3A_44 = arith.constant 0 : i32
      %dma_start3A_45 = tpu.memref_slice %arg16[%mul3A_38, %dma_start3A_44] : memref<10112x128xf32, #tpu.memory_space<vmem_shared>> -> memref<632x128xf32, #tpu.memory_space<vmem_shared>>
      tpu.enqueue_dma source(%dma_start3A_45 : memref<632x128xf32, #tpu.memory_space<vmem_shared>>) target(%dma_start3A_43 : memref<632x128xf32, #tpu.memory_space<hbm>>) target_semaphore(%run_scoped3A : memref<!tpu.dma_semaphore, #tpu.memory_space<semaphore_mem>>)
      %dma_wait3A = arith.constant 0 : i32
      %dma_wait3A_46 = tpu.memref_slice %arg6[%arg0, %mul3A_40, %dma_wait3A] : memref<2x10112x128xf32, #tpu.memory_space<hbm>> -> memref<1x632x128xf32, #tpu.memory_space<hbm>>
      %dma_wait3A_47 = tpu.memref_squeeze %dma_wait3A_46 : memref<1x632x128xf32, #tpu.memory_space<hbm>> -> memref<632x128xf32, #tpu.memory_space<hbm>>
      %dma_wait3A_48 = arith.constant 0 : i32
      %dma_wait3A_49 = tpu.memref_slice %arg16[%mul3A_38, %dma_wait3A_48] : memref<10112x128xf32, #tpu.memory_space<vmem_shared>> -> memref<632x128xf32, #tpu.memory_space<vmem_shared>>
      tpu.wait_dma2 semaphore(%run_scoped3A : memref<!tpu.dma_semaphore, #tpu.memory_space<semaphore_mem>>) src(%dma_wait3A_49 : memref<632x128xf32, #tpu.memory_space<vmem_shared>>) dst(%dma_wait3A_47 : memref<632x128xf32, #tpu.memory_space<hbm>>)
      tpu.yield
    }) : () -> ()
    return
  }
}

module attributes {stable_mosaic.version = 14 : i64} {
  func.func @body(%arg0: i32, %arg1: memref<2x1000x128xf32, #tpu.memory_space<vmem>>, %arg2: memref<128x128xf32, #tpu.memory_space<vmem>>, %arg3: memref<1x128xf32, #tpu.memory_space<vmem>>, %arg4: memref<1000x128xf32, #tpu.memory_space<vmem>>) attributes {dimension_semantics = [#tpu.dimension_semantics<arbitrary>], iteration_bounds = array<i64: 10>, scalar_prefetch = 0 : i64, scratch_operands = 0 : i64, tpu.core_type = #tpu.core_type<tc>, window_params = [{transform_indices = @transform_0, window_bounds = array<i64: 2, 1000, 128>}, {pipeline_mode = #tpu.pipeline_mode<synchronous>, transform_indices = @transform_1, window_bounds = array<i64: 128, 128>}, {pipeline_mode = #tpu.pipeline_mode<synchronous>, transform_indices = @transform_2, window_bounds = array<i64: 1, 128>}, {transform_indices = @transform_3, window_bounds = array<i64: 1000, 128>}]} {
    %get3A = arith.constant 0 : index
    %get3A_0 = arith.constant 0 : index
    %get3A_1 = arith.constant 0 : index
    %get3A_2 = vector.load %arg1[%get3A, %get3A_0, %get3A_1] : memref<2x1000x128xf32, #tpu.memory_space<vmem>>, vector<1x1000x128xf32>
    %get3A_3 = vector.shape_cast %get3A_2 : vector<1x1000x128xf32> to vector<1000x128xf32>
    %get3A_4 = arith.constant 1 : index
    %get3A_5 = arith.constant 0 : index
    %get3A_6 = arith.constant 0 : index
    %get3A_7 = vector.load %arg1[%get3A_4, %get3A_5, %get3A_6] : memref<2x1000x128xf32, #tpu.memory_space<vmem>>, vector<1x1000x128xf32>
    %get3A_8 = vector.shape_cast %get3A_7 : vector<1x1000x128xf32> to vector<1000x128xf32>
    %add3A = arith.addf %get3A_3, %get3A_8 : vector<1000x128xf32>
    %convert_element_type3A = arith.truncf %add3A : vector<1000x128xf32> to vector<1000x128xbf16>
    %get3A_9 = arith.constant 0 : index
    %get3A_10 = arith.constant 0 : index
    %get3A_11 = vector.load %arg2[%get3A_9, %get3A_10] : memref<128x128xf32, #tpu.memory_space<vmem>>, vector<128x128xf32>
    %convert_element_type3A_12 = arith.truncf %get3A_11 : vector<128x128xf32> to vector<128x128xbf16>
    %dot_general3A = arith.constant dense<0.000000e+00> : vector<1000x128xf32>
    %dot_general3A_13 = tpu.matmul %convert_element_type3A, %convert_element_type3A_12, %dot_general3A {dimension_numbers = #tpu.dot_dimension_numbers<[1], [0], [0], [1], [0, 0, 1, 1], [], []>, transpose_lhs_hint = false} : vector<1000x128xbf16>, vector<128x128xbf16>, vector<1000x128xf32> -> vector<1000x128xf32>
    %get3A_14 = arith.constant 0 : index
    %get3A_15 = arith.constant 0 : index
    %get3A_16 = vector.load %arg3[%get3A_14, %get3A_15] : memref<1x128xf32, #tpu.memory_space<vmem>>, vector<1x128xf32>
    %add3A_17 = vector.broadcast %get3A_16 : vector<1x128xf32> to vector<1000x128xf32>
    %add3A_18 = arith.addf %dot_general3A_13, %add3A_17 : vector<1000x128xf32>
    %max3A = arith.constant 0.000000e+00 : f32
    %max3A_19 = vector.broadcast %max3A : f32 to vector<1000x128xf32>
    %max3A_20 = arith.maximumf %add3A_18, %max3A_19 : vector<1000x128xf32>
    %swap3A = arith.constant 0 : index
    %swap3A_21 = arith.constant 0 : index
    %swap3A_22 = vector.load %arg4[%swap3A, %swap3A_21] : memref<1000x128xf32, #tpu.memory_space<vmem>>, vector<1000x128xf32>
    tpu.vector_store %arg4[%swap3A, %swap3A_21], %max3A_20 {strides = array<i32>} : memref<1000x128xf32, #tpu.memory_space<vmem>>, vector<1000x128xf32>,
    return
  }
  func.func @transform_0(%arg0: i32) -> (i32, i32, i32) {
    %c0_i32 = arith.constant 0 : i32
    %c0_i32_0 = arith.constant 0 : i32
    %c0_i32_1 = arith.constant 0 : i32
    return %c0_i32, %arg0, %c0_i32_0 : i32, i32, i32
  }
  func.func @transform_1(%arg0: i32) -> (i32, i32) {
    %c0_i32 = arith.constant 0 : i32
    %c0_i32_0 = arith.constant 0 : i32
    %c0_i32_1 = arith.constant 0 : i32
    return %c0_i32, %c0_i32_0 : i32, i32
  }
  func.func @transform_2(%arg0: i32) -> (i32, i32) {
    %c0_i32 = arith.constant 0 : i32
    %c0_i32_0 = arith.constant 0 : i32
    %c0_i32_1 = arith.constant 0 : i32
    return %c0_i32, %c0_i32_0 : i32, i32
  }
  func.func @transform_3(%arg0: i32) -> (i32, i32) {
    %c0_i32 = arith.constant 0 : i32
    %c0_i32_0 = arith.constant 0 : i32
    return %arg0, %c0_i32 : i32, i32
  }
}

module attributes {stable_mosaic.version = 14 : i64} {
  func.func @body(%arg0: i32, %arg1: memref<2x1000x128xf32, #tpu.memory_space<vmem>>, %arg2: memref<128x128xf32, #tpu.memory_space<vmem>>, %arg3: memref<1x128xf32, #tpu.memory_space<vmem>>, %arg4: memref<1x1x1000xi32, #tpu.memory_space<vmem>>, %arg5: memref<64x1xi32, #tpu.memory_space<vmem>>, %arg6: memref<2x128xf32, #tpu.memory_space<vmem>>, %arg7: memref<1x1xf32, #tpu.memory_space<vmem>>, %arg8: memref<64x1xf32, #tpu.memory_space<vmem>>, %arg9: memref<64x128xf32, #tpu.memory_space<vmem>>, %arg10: memref<64x128xf32, #tpu.memory_space<vmem>>, %arg11: memref<64x1xf32, #tpu.memory_space<vmem>>) attributes {dimension_semantics = [#tpu.dimension_semantics<arbitrary>], iteration_bounds = array<i64: 10>, scalar_prefetch = 0 : i64, scratch_operands = 3 : i64, tpu.core_type = #tpu.core_type<tc>, window_params = [{transform_indices = @transform_0, window_bounds = array<i64: 2, 1000, 128>}, {pipeline_mode = #tpu.pipeline_mode<synchronous>, transform_indices = @transform_1, window_bounds = array<i64: 128, 128>}, {pipeline_mode = #tpu.pipeline_mode<synchronous>, transform_indices = @transform_2, window_bounds = array<i64: 1, 128>}, {transform_indices = @transform_3, window_bounds = array<i64: 1, 1, 1000>}, {pipeline_mode = #tpu.pipeline_mode<synchronous>, transform_indices = @transform_4, window_bounds = array<i64: 64, 1>}, {pipeline_mode = #tpu.pipeline_mode<synchronous>, transform_indices = @transform_5, window_bounds = array<i64: 2, 128>}, {pipeline_mode = #tpu.pipeline_mode<synchronous>, transform_indices = @transform_6, window_bounds = array<i64: 1, 1>}, {pipeline_mode = #tpu.pipeline_mode<synchronous>, transform_indices = @transform_7, window_bounds = array<i64: 64, 1>}]} {
    %eq3A = arith.constant 0 : i32
    %eq3A_0 = arith.cmpi eq, %arg0, %eq3A : i32
    %convert_element_type3A = arith.extui %eq3A_0 : i1 to i32
    %cond3A = arith.constant 0 : i32
    %cond3A_1 = arith.cmpi ne, %convert_element_type3A, %cond3A : i32
    scf.if %cond3A_1 {
      %broadcast_in_dim3A_74 = arith.constant 0.000000e+00 : f32
      %broadcast_in_dim3A_75 = vector.broadcast %broadcast_in_dim3A_74 : f32 to vector<64x128xf32>
      %swap3A_76 = arith.constant 0 : index
      %swap3A_77 = arith.constant 0 : index
      %swap3A_78 = vector.load %arg9[%swap3A_76, %swap3A_77] : memref<64x128xf32, #tpu.memory_space<vmem>>, vector<64x128xf32>
      tpu.vector_store %arg9[%swap3A_76, %swap3A_77], %broadcast_in_dim3A_75 {strides = array<i32>} : memref<64x128xf32, #tpu.memory_space<vmem>>, vector<64x128xf32>,
      %broadcast_in_dim3A_79 = arith.constant 0.000000e+00 : f32
      %broadcast_in_dim3A_80 = vector.broadcast %broadcast_in_dim3A_79 : f32 to vector<64x128xf32>
      %swap3A_81 = arith.constant 0 : index
      %swap3A_82 = arith.constant 0 : index
      %swap3A_83 = vector.load %arg10[%swap3A_81, %swap3A_82] : memref<64x128xf32, #tpu.memory_space<vmem>>, vector<64x128xf32>
      tpu.vector_store %arg10[%swap3A_81, %swap3A_82], %broadcast_in_dim3A_80 {strides = array<i32>} : memref<64x128xf32, #tpu.memory_space<vmem>>, vector<64x128xf32>,
      %broadcast_in_dim3A_84 = arith.constant 0.000000e+00 : f32
      %broadcast_in_dim3A_85 = vector.broadcast %broadcast_in_dim3A_84 : f32 to vector<64x1xf32>
      %swap3A_86 = arith.constant 0 : index
      %swap3A_87 = arith.constant 0 : index
      %swap3A_88 = vector.load %arg11[%swap3A_86, %swap3A_87] : memref<64x1xf32, #tpu.memory_space<vmem>>, vector<64x1xf32>
      tpu.vector_store %arg11[%swap3A_86, %swap3A_87], %broadcast_in_dim3A_85 {strides = array<i32>} : memref<64x1xf32, #tpu.memory_space<vmem>>, vector<64x1xf32>,
    } else {
    }
    %get3A = arith.constant 0 : index
    %get3A_2 = arith.constant 0 : index
    %get3A_3 = arith.constant 0 : index
    %get3A_4 = vector.load %arg1[%get3A, %get3A_2, %get3A_3] : memref<2x1000x128xf32, #tpu.memory_space<vmem>>, vector<1x1000x128xf32>
    %get3A_5 = vector.shape_cast %get3A_4 : vector<1x1000x128xf32> to vector<1000x128xf32>
    %get3A_6 = arith.constant 1 : index
    %get3A_7 = arith.constant 0 : index
    %get3A_8 = arith.constant 0 : index
    %get3A_9 = vector.load %arg1[%get3A_6, %get3A_7, %get3A_8] : memref<2x1000x128xf32, #tpu.memory_space<vmem>>, vector<1x1000x128xf32>
    %get3A_10 = vector.shape_cast %get3A_9 : vector<1x1000x128xf32> to vector<1000x128xf32>
    %add3A = arith.addf %get3A_5, %get3A_10 : vector<1000x128xf32>
    %convert_element_type3A_11 = arith.truncf %add3A : vector<1000x128xf32> to vector<1000x128xbf16>
    %get3A_12 = arith.constant 0 : index
    %get3A_13 = arith.constant 0 : index
    %get3A_14 = vector.load %arg2[%get3A_12, %get3A_13] : memref<128x128xf32, #tpu.memory_space<vmem>>, vector<128x128xf32>
    %convert_element_type3A_15 = arith.truncf %get3A_14 : vector<128x128xf32> to vector<128x128xbf16>
    %dot_general3A = arith.constant dense<0.000000e+00> : vector<1000x128xf32>
    %dot_general3A_16 = tpu.matmul %convert_element_type3A_11, %convert_element_type3A_15, %dot_general3A {dimension_numbers = #tpu.dot_dimension_numbers<[1], [0], [0], [1], [0, 0, 1, 1], [], []>, transpose_lhs_hint = false} : vector<1000x128xbf16>, vector<128x128xbf16>, vector<1000x128xf32> -> vector<1000x128xf32>
    %get3A_17 = arith.constant 0 : index
    %get3A_18 = arith.constant 0 : index
    %get3A_19 = vector.load %arg3[%get3A_17, %get3A_18] : memref<1x128xf32, #tpu.memory_space<vmem>>, vector<1x128xf32>
    %add3A_20 = vector.broadcast %get3A_19 : vector<1x128xf32> to vector<1000x128xf32>
    %add3A_21 = arith.addf %dot_general3A_16, %add3A_20 : vector<1000x128xf32>
    %max3A = arith.constant 0.000000e+00 : f32
    %max3A_22 = vector.broadcast %max3A : f32 to vector<1000x128xf32>
    %max3A_23 = arith.maximumf %add3A_21, %max3A_22 : vector<1000x128xf32>
    %get3A_24 = arith.constant 0 : index
    %get3A_25 = arith.constant 0 : index
    %get3A_26 = arith.constant 0 : index
    %get3A_27 = vector.load %arg4[%get3A_24, %get3A_25, %get3A_26] : memref<1x1x1000xi32, #tpu.memory_space<vmem>>, vector<1x1x1000xi32>
    %get3A_28 = vector.shape_cast %get3A_27 : vector<1x1x1000xi32> to vector<1x1000xi32>
    %iota3A = tpu.iota {dimensions = array<i32: 0>} : vector<64x1000xi32>
    %eq3A_29 = vector.broadcast %get3A_28 : vector<1x1000xi32> to vector<64x1000xi32>
    %eq3A_30 = arith.cmpi eq, %iota3A, %eq3A_29 : vector<64x1000xi32>
    %convert_element_type3A_31 = arith.extui %eq3A_30 : vector<64x1000xi1> to vector<64x1000xi32>
    %convert_element_type3A_32 = arith.sitofp %convert_element_type3A_31 : vector<64x1000xi32> to vector<64x1000xf32>
    %get3A_33 = arith.constant 0 : index
    %get3A_34 = arith.constant 0 : index
    %get3A_35 = vector.load %arg9[%get3A_33, %get3A_34] : memref<64x128xf32, #tpu.memory_space<vmem>>, vector<64x128xf32>
    %dot_general3A_36 = arith.constant dense<0.000000e+00> : vector<64x128xf32>
    %dot_general3A_37 = tpu.matmul %convert_element_type3A_32, %max3A_23, %dot_general3A_36 {dimension_numbers = #tpu.dot_dimension_numbers<[1], [0], [0], [1], [0, 0, 1, 1], [], []>, precision = #tpu.contract_precision<fp32>, transpose_lhs_hint = false} : vector<64x1000xf32>, vector<1000x128xf32>, vector<64x128xf32> -> vector<64x128xf32>
    %add3A_38 = arith.addf %get3A_35, %dot_general3A_37 : vector<64x128xf32>
    %swap3A = arith.constant 0 : index
    %swap3A_39 = arith.constant 0 : index
    %swap3A_40 = vector.load %arg9[%swap3A, %swap3A_39] : memref<64x128xf32, #tpu.memory_space<vmem>>, vector<64x128xf32>
    tpu.vector_store %arg9[%swap3A, %swap3A_39], %add3A_38 {strides = array<i32>} : memref<64x128xf32, #tpu.memory_space<vmem>>, vector<64x128xf32>,
    %get3A_41 = arith.constant 0 : index
    %get3A_42 = arith.constant 0 : index
    %get3A_43 = vector.load %arg11[%get3A_41, %get3A_42] : memref<64x1xf32, #tpu.memory_space<vmem>>, vector<64x1xf32>
    %reduce_sum3A = arith.constant dense<0.000000e+00> : vector<64xf32>
    %reduce_sum3A_44 = vector.multi_reduction <add>, %convert_element_type3A_32, %reduce_sum3A [1] : vector<64x1000xf32> to vector<64xf32>
    %broadcast_in_dim3A = vector.shape_cast %reduce_sum3A_44 : vector<64xf32> to vector<64x1xf32>
    %add3A_45 = arith.addf %get3A_43, %broadcast_in_dim3A : vector<64x1xf32>
    %swap3A_46 = arith.constant 0 : index
    %swap3A_47 = arith.constant 0 : index
    %swap3A_48 = vector.load %arg11[%swap3A_46, %swap3A_47] : memref<64x1xf32, #tpu.memory_space<vmem>>, vector<64x1xf32>
    tpu.vector_store %arg11[%swap3A_46, %swap3A_47], %add3A_45 {strides = array<i32>} : memref<64x1xf32, #tpu.memory_space<vmem>>, vector<64x1xf32>,
    %mul3A = arith.constant 1000 : i32
    %mul3A_49 = arith.muli %arg0, %mul3A : i32
    %iota3A_50 = tpu.iota {dimensions = array<i32: 1>} : vector<64x1000xi32>
    %add3A_51 = vector.broadcast %mul3A_49 : i32 to vector<64x1000xi32>
    %add3A_52 = arith.addi %add3A_51, %iota3A_50 : vector<64x1000xi32>
    %get3A_53 = arith.constant 0 : index
    %get3A_54 = arith.constant 0 : index
    %get3A_55 = vector.load %arg5[%get3A_53, %get3A_54] : memref<64x1xi32, #tpu.memory_space<vmem>>, vector<64x1xi32>
    %eq3A_56 = vector.broadcast %get3A_55 : vector<64x1xi32> to vector<64x1000xi32>
    %eq3A_57 = arith.cmpi eq, %eq3A_56, %add3A_52 : vector<64x1000xi32>
    %convert_element_type3A_58 = arith.extui %eq3A_57 : vector<64x1000xi1> to vector<64x1000xi32>
    %convert_element_type3A_59 = arith.sitofp %convert_element_type3A_58 : vector<64x1000xi32> to vector<64x1000xf32>
    %get3A_60 = arith.constant 0 : index
    %get3A_61 = arith.constant 0 : index
    %get3A_62 = vector.load %arg10[%get3A_60, %get3A_61] : memref<64x128xf32, #tpu.memory_space<vmem>>, vector<64x128xf32>
    %dot_general3A_63 = arith.constant dense<0.000000e+00> : vector<64x128xf32>
    %dot_general3A_64 = tpu.matmul %convert_element_type3A_59, %max3A_23, %dot_general3A_63 {dimension_numbers = #tpu.dot_dimension_numbers<[1], [0], [0], [1], [0, 0, 1, 1], [], []>, precision = #tpu.contract_precision<fp32>, transpose_lhs_hint = false} : vector<64x1000xf32>, vector<1000x128xf32>, vector<64x128xf32> -> vector<64x128xf32>
    %add3A_65 = arith.addf %get3A_62, %dot_general3A_64 : vector<64x128xf32>
    %swap3A_66 = arith.constant 0 : index
    %swap3A_67 = arith.constant 0 : index
    %swap3A_68 = vector.load %arg10[%swap3A_66, %swap3A_67] : memref<64x128xf32, #tpu.memory_space<vmem>>, vector<64x128xf32>
    tpu.vector_store %arg10[%swap3A_66, %swap3A_67], %add3A_65 {strides = array<i32>} : memref<64x128xf32, #tpu.memory_space<vmem>>, vector<64x128xf32>,
    %eq3A_69 = arith.constant 9 : i32
    %eq3A_70 = arith.cmpi eq, %arg0, %eq3A_69 : i32
    %convert_element_type3A_71 = arith.extui %eq3A_70 : i1 to i32
    %cond3A_72 = arith.constant 0 : i32
    %cond3A_73 = arith.cmpi ne, %convert_element_type3A_71, %cond3A_72 : i32
    scf.if %cond3A_73 {
      %get3A_74 = arith.constant 0 : index
      %get3A_75 = arith.constant 0 : index
      %get3A_76 = vector.load %arg9[%get3A_74, %get3A_75] : memref<64x128xf32, #tpu.memory_space<vmem>>, vector<64x128xf32>
      %get3A_77 = arith.constant 0 : index
      %get3A_78 = arith.constant 0 : index
      %get3A_79 = vector.load %arg11[%get3A_77, %get3A_78] : memref<64x1xf32, #tpu.memory_space<vmem>>, vector<64x1xf32>
      %max3A_80 = arith.constant 1.000000e+00 : f32
      %max3A_81 = vector.broadcast %max3A_80 : f32 to vector<64x1xf32>
      %max3A_82 = arith.maximumf %get3A_79, %max3A_81 : vector<64x1xf32>
      %div3A = vector.broadcast %max3A_82 : vector<64x1xf32> to vector<64x128xf32>
      %div3A_83 = arith.divf %get3A_76, %div3A : vector<64x128xf32>
      %convert_element_type3A_84 = arith.truncf %div3A_83 : vector<64x128xf32> to vector<64x128xbf16>
      %convert_element_type3A_85 = arith.extf %convert_element_type3A_84 : vector<64x128xbf16> to vector<64x128xf32>
      %get3A_86 = arith.constant 0 : index
      %get3A_87 = arith.constant 0 : index
      %get3A_88 = vector.load %arg10[%get3A_86, %get3A_87] : memref<64x128xf32, #tpu.memory_space<vmem>>, vector<64x128xf32>
      %convert_element_type3A_89 = arith.truncf %get3A_88 : vector<64x128xf32> to vector<64x128xbf16>
      %convert_element_type3A_90 = arith.extf %convert_element_type3A_89 : vector<64x128xbf16> to vector<64x128xf32>
      %get3A_91 = arith.constant 0 : index
      %get3A_92 = arith.constant 0 : index
      %get3A_93 = vector.load %arg6[%get3A_91, %get3A_92] : memref<2x128xf32, #tpu.memory_space<vmem>>, vector<2x128xf32>
      %convert_element_type3A_94 = arith.truncf %get3A_93 : vector<2x128xf32> to vector<2x128xbf16>
      %convert_element_type3A_95 = arith.extf %convert_element_type3A_94 : vector<2x128xbf16> to vector<2x128xf32>
      %slice3A = vector.extract_strided_slice %convert_element_type3A_95 {offsets = [0, 0], sizes = [1, 128], strides = [1, 1]} : vector<2x128xf32> to vector<1x128xf32>
      %mul3A_96 = vector.broadcast %slice3A : vector<1x128xf32> to vector<64x128xf32>
      %mul3A_97 = arith.mulf %convert_element_type3A_85, %mul3A_96 : vector<64x128xf32>
      %reduce_sum3A_98 = arith.constant dense<0.000000e+00> : vector<64xf32>
      %reduce_sum3A_99 = vector.multi_reduction <add>, %mul3A_97, %reduce_sum3A_98 [1] : vector<64x128xf32> to vector<64xf32>
      %broadcast_in_dim3A_100 = vector.shape_cast %reduce_sum3A_99 : vector<64xf32> to vector<64x1xf32>
      %slice3A_101 = vector.extract_strided_slice %convert_element_type3A_95 {offsets = [1, 0], sizes = [1, 128], strides = [1, 1]} : vector<2x128xf32> to vector<1x128xf32>
      %mul3A_102 = vector.broadcast %slice3A_101 : vector<1x128xf32> to vector<64x128xf32>
      %mul3A_103 = arith.mulf %convert_element_type3A_90, %mul3A_102 : vector<64x128xf32>
      %reduce_sum3A_104 = arith.constant dense<0.000000e+00> : vector<64xf32>
      %reduce_sum3A_105 = vector.multi_reduction <add>, %mul3A_103, %reduce_sum3A_104 [1] : vector<64x128xf32> to vector<64xf32>
      %broadcast_in_dim3A_106 = vector.shape_cast %reduce_sum3A_105 : vector<64xf32> to vector<64x1xf32>
      %add3A_107 = arith.addf %broadcast_in_dim3A_100, %broadcast_in_dim3A_106 : vector<64x1xf32>
      %get3A_108 = arith.constant 0 : index
      %get3A_109 = arith.constant 0 : index
      %get3A_110 = vector.load %arg7[%get3A_108, %get3A_109] : memref<1x1xf32, #tpu.memory_space<vmem>>, vector<1x1xf32>
      %add3A_111 = vector.broadcast %get3A_110 : vector<1x1xf32> to vector<64x1xf32>
      %add3A_112 = arith.addf %add3A_107, %add3A_111 : vector<64x1xf32>
      %neg3A = arith.constant 0.000000e+00 : f32
      %neg3A_113 = vector.broadcast %neg3A : f32 to vector<64x1xf32>
      %neg3A_114 = arith.subf %neg3A_113, %add3A_112 : vector<64x1xf32>
      %exp3A = math.exp %neg3A_114 : vector<64x1xf32>
      %add3A_115 = arith.constant 1.000000e+00 : f32
      %add3A_116 = vector.broadcast %add3A_115 : f32 to vector<64x1xf32>
      %add3A_117 = arith.addf %add3A_116, %exp3A : vector<64x1xf32>
      %div3A_118 = arith.constant 1.000000e+00 : f32
      %div3A_119 = vector.broadcast %div3A_118 : f32 to vector<64x1xf32>
      %div3A_120 = arith.divf %div3A_119, %add3A_117 : vector<64x1xf32>
      %swap3A_121 = arith.constant 0 : index
      %swap3A_122 = arith.constant 0 : index
      %swap3A_123 = vector.load %arg8[%swap3A_121, %swap3A_122] : memref<64x1xf32, #tpu.memory_space<vmem>>, vector<64x1xf32>
      tpu.vector_store %arg8[%swap3A_121, %swap3A_122], %div3A_120 {strides = array<i32>} : memref<64x1xf32, #tpu.memory_space<vmem>>, vector<64x1xf32>,
    } else {
    }
    return
  }
  func.func @transform_0(%arg0: i32) -> (i32, i32, i32) {
    %c0_i32 = arith.constant 0 : i32
    %c0_i32_0 = arith.constant 0 : i32
    %c0_i32_1 = arith.constant 0 : i32
    return %c0_i32, %arg0, %c0_i32_0 : i32, i32, i32
  }
  func.func @transform_1(%arg0: i32) -> (i32, i32) {
    %c0_i32 = arith.constant 0 : i32
    %c0_i32_0 = arith.constant 0 : i32
    %c0_i32_1 = arith.constant 0 : i32
    return %c0_i32, %c0_i32_0 : i32, i32
  }
  func.func @transform_2(%arg0: i32) -> (i32, i32) {
    %c0_i32 = arith.constant 0 : i32
    %c0_i32_0 = arith.constant 0 : i32
    %c0_i32_1 = arith.constant 0 : i32
    return %c0_i32, %c0_i32_0 : i32, i32
  }
  func.func @transform_3(%arg0: i32) -> (i32, i32, i32) {
    %c0_i32 = arith.constant 0 : i32
    %c0_i32_0 = arith.constant 0 : i32
    %c0_i32_1 = arith.constant 0 : i32
    return %arg0, %c0_i32, %c0_i32_0 : i32, i32, i32
  }
  func.func @transform_4(%arg0: i32) -> (i32, i32) {
    %c0_i32 = arith.constant 0 : i32
    %c0_i32_0 = arith.constant 0 : i32
    %c0_i32_1 = arith.constant 0 : i32
    return %c0_i32, %c0_i32_0 : i32, i32
  }
  func.func @transform_5(%arg0: i32) -> (i32, i32) {
    %c0_i32 = arith.constant 0 : i32
    %c0_i32_0 = arith.constant 0 : i32
    %c0_i32_1 = arith.constant 0 : i32
    return %c0_i32, %c0_i32_0 : i32, i32
  }
  func.func @transform_6(%arg0: i32) -> (i32, i32) {
    %c0_i32 = arith.constant 0 : i32
    %c0_i32_0 = arith.constant 0 : i32
    %c0_i32_1 = arith.constant 0 : i32
    return %c0_i32, %c0_i32_0 : i32, i32
  }
  func.func @transform_7(%arg0: i32) -> (i32, i32) {
    %c0_i32 = arith.constant 0 : i32
    %c0_i32_0 = arith.constant 0 : i32
    %c0_i32_1 = arith.constant 0 : i32
    return %c0_i32, %c0_i32_0 : i32, i32
  }
}

</mosaic_0001>

<sc_bundles>
// kernel: kernel.6.cloned.1.call-start
scs
__scs_entry_jumppad:
0x0: {  	(pc) =	sbr.rel $0x88, $3  }
0x1: {  	(tag) =	ssettag $0x0;
	lr =	simm.s32 $0x1  }
0x2: {  	[smem:$0x3F97] =	sst lr;
	_ =	strace $0xD0000000  }
0x3: {  	_ = 	snop  }
0x4: {  	_ = 	snop  }
0x5: {  	_ = 	snop  }
0x6: {  	_ = 	snop  }
0x7: {  	_ = 	snop  }
__scs_overlays_trampoline_lowered:
0x8: {  	[smem:$0x3FA6] =	sst s0  }
0x9: {  	[smem:$0x3FA7] =	sst s1  }
0xa: {  	[smem:$0x3FA8] =	sst s2  }
0xb: {  	[smem:$0x3FA9] =	sst s3  }
0xc: {  	[smem:$0x3FAA] =	sst s4  }
0xd: {  	[smem:$0x3FAB] =	sst s5  }
0xe: {  	[smem:$0x3FAC] =	sst s6  }
0xf: {  	[smem:$0x3FAD] =	sst s7  }
0x10: {  	[smem:$0x3FAE] =	sst s8  }
0x11: {  	[smem:$0x3FAF] =	sst s9;
	s0 =	simm.s32 @!p0 $0x0  }
0x12: {  	s1 =	sld [smem:$0x3F95];
	s0 =	simm.s32 @p0 $0x1  }
0x13: {  	[smem:$0x3FB0] =	sst s0;
	s0 =	simm.s32 @!p1 $0x0  }
0x14: {  	s2 =	sld [smem:$0x3F94];
	s0 =	simm.s32 @p1 $0x1  }
0x15: {  	[smem:$0x3FB1] =	sst s0;
	s0 =	simm.s32 @!p2 $0x0  }
0x16: {  	s3 =	sld [smem:$0x3FDB];
	s0 =	simm.s32 @p2 $0x1  }
0x17: {  	s4 =	simm.s32 $0x1BF5;
	[smem:$0x3FB3] =	sst s0  }
0x18: {  	s0 =	sld [smem:$0x3F96];
	_ =	swait.ge [sflag:s4], $0x0  }
0x19: {  	s7 =	sld [smem:$0x3F97]  }
0x1a: {  	s8 =	sadd.s32 $0xFFFFE003, lr  }
0x1b: {  	s9 =	sadd.s32 $0xFFFFFEF7, lr;
	s5 =	simm.s32 $0xFFFFFFFF;
	p2 =	slt.u32 s8, $0xFFFFF086  }
0x1c: {  	p1 =	slt.u32 s9, $0xF7A;
	s5 =	simm.s32 @!p2 $0x0  }
0x1d: {  	s5 =	simm.s32 @p1 $0x1;
	p0 =	seq.s32 s7, s2  }
0x1e: {  	s7 =	smul.u32 @!p0 $0xF7A, s2;
	p2 =	seq.s32 @!p0 s5, $0x0  }
0x1f: {  	s9 =	smul.u32 $0xF7A, s1;
	s8 =	simm.s32 @!p0 $0x1BF5;
	p2 =	por !p2, p0  }
0x20: {  	[sflag:s8] =	ssyncset.s32 @!p0 $0xFFFFF086;
	s6 =	sadd.s32 @!p0 s3, s7;
	s7 =	simm.s32 @!p0 $0x108  }
0x21: {  	s3 =	sadd.s32 s3, s9;
	s6 =	sadd.s32 @!p0 $0x88, s6;
	s7 =	simm.s32 @p2 $0x1082  }
0x22: {  	[simem:s7], [sflag:s8] =	dma.local @!p0 [hbm:s6], $0xF7A  }
0x23: {  	s9 =	sor.u32 $0xD0000000, s2;
	s6 =	simm.s32 $0x108;
	_ =	swait.ge @!p0 [sflag:s8], $0x0  }
0x24: {  	s3 =	sadd.s32 $0x88, s3;
	s6 =	simm.s32 @!p1 $0x1082;
	[sflag:s4] =	ssyncset.s32 $0xFFFFF086  }
0x25: {  	[simem:s6], [sflag:s4] =	dma.local [hbm:s3], $0xF7A  }
0x26: {  	[smem:$0x3F97] =	sst s1;
	(tag) =	ssettag s2;
	_ =	strace s9  }
0x27: {  	s1 =	sld [smem:$0x3FA7]  }
0x28: {  	s2 =	sld [smem:$0x3FA8]  }
0x29: {  	s4 =	sld [smem:$0x3FAA]  }
0x2a: {  	p0 =	seq.s32 s5, $0x0;
	s5 =	sld [smem:$0x3FAB]  }
0x2b: {  	s6 =	sld [smem:$0x3FAC]  }
0x2c: {  	s7 =	sld [smem:$0x3FAD]  }
0x2d: {  	s3 =	simm.s32 $0x108;
	s8 =	sld [smem:$0x3FAE]  }
0x2e: {  	s3 =	simm.s32 @!p0 $0x1082;
	s9 =	sld [smem:$0x3FAF]  }
0x2f: {  	lr =	sadd.s32 s0, s3;
	s0 =	sld [smem:$0x3FA6]  }
0x30: {  	s3 =	sld [smem:$0x3FA9]  }
0x31: {  	[smem:$0x3FB2] =	sst s10  }
0x32: {  	s10 =	sld [smem:$0x3FB0];
	_ =	sdelay $0x3  }
0x33: {  	p0 =	seq.s32 s10, $0x1;
	s10 =	sld [smem:$0x3FB2];
	_ =	sdelay $0x3  }
0x34: {  	[smem:$0x3FB2] =	sst s10  }
0x35: {  	s10 =	sld [smem:$0x3FB1];
	_ =	sdelay $0x3  }
0x36: {  	p1 =	seq.s32 s10, $0x1;
	s10 =	sld [smem:$0x3FB2];
	_ =	sdelay $0x3  }
0x37: {  	[smem:$0x3FB2] =	sst s10  }
0x38: {  	s10 =	sld [smem:$0x3FB3]  }
0x39: {  	_ = 	snop;
	(pc) =	sbr.ind lr, $3  }
0x3a: {  	_ = 	snop  }
0x3b: {  	_ = 	snop  }
0x3c: {  	p2 =	seq.s32 s10, $0x1;
	s10 =	sld [smem:$0x3FB2]  }
0x3d: {  	_ =	shalt  }
0x3e: {  	_ =	shalt  }
0x3f: {  	_ =	shalt  }
0x40: {  	_ =	shalt  }
0x41: {  	_ =	shalt  }
0x42: {  	_ =	shalt  }
0x43: {  	_ =	shalt  }
0x44: {  	_ =	shalt  }
0x45: {  	_ =	shalt  }
0x46: {  	_ =	shalt  }
0x47: {  	_ =	shalt  }
0x48: {  	_ =	shalt  }
0x49: {  	_ =	shalt  }
0x4a: {  	_ =	shalt  }
0x4b: {  	_ =	shalt  }
0x4c: {  	_ =	shalt  }
0x4d: {  	_ =	shalt  }
0x4e: {  	_ =	shalt  }
0x4f: {  	_ =	shalt  }
0x50: {  	_ =	shalt  }
0x51: {  	_ =	shalt  }
0x52: {  	_ =	shalt  }
0x53: {  	_ =	shalt  }
0x54: {  	_ =	shalt  }
0x55: {  	_ =	shalt  }
0x56: {  	_ =	shalt  }
0x57: {  	_ =	shalt  }
0x58: {  	_ =	shalt  }
0x59: {  	_ =	shalt  }
0x5a: {  	_ =	shalt  }
0x5b: {  	_ =	shalt  }
0x5c: {  	_ =	shalt  }
0x5d: {  	_ =	shalt  }
0x5e: {  	_ =	shalt  }
0x5f: {  	_ =	shalt  }
0x60: {  	_ =	shalt  }
0x61: {  	_ =	shalt  }
0x62: {  	_ =	shalt  }
0x63: {  	_ =	shalt  }
0x64: {  	_ =	shalt  }
0x65: {  	_ =	shalt  }
0x66: {  	_ =	shalt  }
0x67: {  	_ =	shalt  }
0x68: {  	_ =	shalt  }
0x69: {  	_ =	shalt  }
0x6a: {  	_ =	shalt  }
0x6b: {  	_ =	shalt  }
0x6c: {  	_ =	shalt  }
0x6d: {  	_ =	shalt  }
0x6e: {  	_ =	shalt  }
0x6f: {  	_ =	shalt  }
0x70: {  	_ =	shalt  }
0x71: {  	_ =	shalt  }
0x72: {  	_ =	shalt  }
0x73: {  	_ =	shalt  }
0x74: {  	_ =	shalt  }
0x75: {  	_ =	shalt  }
0x76: {  	_ =	shalt  }
0x77: {  	_ =	shalt  }
0x78: {  	_ =	shalt  }
0x79: {  	_ =	shalt  }
0x7a: {  	_ =	shalt  }
0x7b: {  	_ =	shalt  }
0x7c: {  	_ =	shalt  }
0x7d: {  	_ =	shalt  }
0x7e: {  	_ =	shalt  }
0x7f: {  	_ =	shalt  }
0x80: {  	_ =	shalt  }
0x81: {  	_ =	shalt  }
0x82: {  	_ =	shalt  }
0x83: {  	_ =	shalt  }
0x84: {  	_ =	shalt  }
0x85: {  	_ =	shalt  }
0x86: {  	_ =	shalt  }
0x87: {  	_ =	shalt  }
.Lfunc_end0:
.L_simem_size_0:
called_computation_lowered:
.L_overlay_start_0:
0x88: {  	s2 =	sld [smem:$0x3FD9]  }
0x89: {  	s3 =	sld [smem:$0x3FFE];
	_ =	sdelay $0x1  }
0x8a: {  	s1 =	srdreg.scid  }
0x8b: {  	s0 =	sand.u32 $0x1, s1  }
0x8c: {  	s17 =	sshll.u32 s0, $0xA;
	s2 =	sadd.s32 s3, s2  }
0x8d: {  	s2 =	sadd.s32 s2, s17  }
0x8e: {  	[smem:$0x3FBE] =	sst s2  }
0x8f: {  	_ = 	snop  }
0x90: {  	s2 =	sld [smem:$0x3FC9];
	(tm) =	ssettm $0x1  }
0x91: {  	s18 =	sld [smem:$0x3FFB];
	_ =	sdelay $0x3  }
0x92: {  	_ =	strace s18  }
0x93: {  	s3 =	sld [smem:$0x3FFC];
	_ =	sdelay $0x3  }
0x94: {  	_ =	strace s3  }
0x95: {  	s3 =	sld [smem:$0x3FFD];
	_ =	sdelay $0x3  }
0x96: {  	_ =	strace s3  }
0x97: {  	_ =	strace $0x8FFFFFFF  }
0x98: {  	s19 =	sld [smem:$0x3FDB];
	_ =	sdelay $0x1  }
0x99: {  	s4 =	simm.s32 $_scs_section_size  }
0x9a: {  	s5 =	simm.s32 $_size__tile_overlayer_lowered;
	s6 =	simm.s32 $_tile_overlayer_lowered  }
0x9b: {  	s22 =	simm.s32 $0x1BFF;
	s21 =	sshll.u32 s6, $0x1;
	s3 =	sadd.s32 s4, s19  }
0x9c: {  	s7 =	simm.s32 $0x0;
	s20 =	sshll.u32 s5, $0x1;
	s5 =	sadd.s32 s21, s3  }
0x9d: {  	[timem:s7], [sflag:s22] =	dma.local [hbm:s5], s20  }
0x9e: {  	_ =	swait.ge [sflag:s22], s20  }
0x9f: {  	s4 =	ssub.s32 $0x0, s20;
	[sflag:s22] =	ssyncset.done $0x0  }
0xa0: {  	[sflag:s22] =	ssyncadd.s32 s4;
	_ =	sdelay $0x1  }
0xa1: {  	s23 =	simm.s32 $0x1B8B  }
0xa2: {  	_ =	swait.ge [sflag:s23], $0x1  }
0xa3: {  	[sflag:s23] =	ssyncset.done $0x0  }
0xa4: {  	s25 =	simm.s32 $0x1B8E;
	s24 =	sld [smem:$0x3FFE];
	[sflag:s23] =	ssyncadd.s32 $0xFFFFFFFF  }
0xa5: {  	s26 =	simm.s32 $execute0_lowered;
	[smem:$0x3FD2] =	sst s25  }
0xa6: {  	s5 =	sshll.u32 s26, $0x1;
	_ =	strace $0x80000046;
	[dreg:$0x1] =	wrdreg $0xFFFFFFFF  }
0xa7: {  	s28 =	simm.s32 $_size_execute0_lowered;
	s3 =	sadd.s32 s3, s5;
	[dreg:$0x0] =	wrdreg $0x0  }
0xa8: {  	s5 =	sshll.u32 s28, $0x1;
	[dreg:$0x2] =	wrdreg s3  }
0xa9: {  	[dreg:$0x3] =	wrdreg s5  }
0xaa: {  	[dreg:$0x4] =	wrdreg $0xC0  }
0xab: {  	_ =	task [dreg:s7], $0x5FFFF  }
0xac: {  	[dreg:$0x1] =	wrdreg $0xFFFFFFFF  }
0xad: {  	[dreg:$0x0] =	wrdreg $0x60  }
0xae: {  	[dreg:$0x2] =	wrdreg s2  }
0xaf: {  	[dreg:$0x3] =	wrdreg s24  }
0xb0: {  	[dreg:$0x4] =	wrdreg $0xC3000  }
0xb1: {  	[dreg:$0x5] =	wrdreg $0x9  }
0xb2: {  	_ =	task.clear_ibuf [dreg:s7], $0x6FFFF;
	_ =	strace $0x90000046  }
0xb3: {  	s29 =	simm.s32 $0x9;
	_ =	strace $0x80000048  }
0xb4: {  	_ =	swait.ge [sflag:s29], $0x1  }
0xb5: {  	[sflag:s29] =	ssyncadd.s32 $0xFFFFFFFF  }
0xb6: {  	_ =	strace $0x90000048  }
0xb7: {  	_ =	sfence  }
0xb8: {  	s30 =	sld [smem:$0x0];
	_ =	sdelay $0x2  }
0xb9: {  	s31 =	sshll.u32 s1, $0xD;
	s1 =	sshrl.u32 s1, $0x2  }
0xba: {  	s3 =	sand.u32 $0x4000, s31;
	s1 =	sadd.s32 s1, s30  }
0xbb: {  	s0 =	sor.u32 s3, s0;
	s1 =	sshll.u32 s1, $0x11  }
0xbc: {  	s0 =	sor.u32 s1, s0  }
0xbd: {  	s0 =	sadd.s32 $0x8F2B, s0  }
0xbe: {  	[sflag:s0] =	ssyncadd.remote.s32 $0x1  }
0xbf: {  	_ =	sfence.sel $0xFFFF  }
0xc0: {  	[dreg:$0x0] =	wrdreg $0xFFFFFFFF;
	(pc) =	sbr.abs _section_cstart, $3  }
0xc1: {  	[dreg:$0x1] =	wrdreg $0xFFFFFFFF  }
0xc2: {  	_ =	task.clear_ibuf [dreg:s7], $0x2FFFF;
	_ =	strace $0x9FFFFFFF  }
0xc3: {  	(tm) =	ssettm $0x7FFFFFFF  }
tec
execute0_lowered:
.L_overlay_start_1:
0x0: {  	(tag) =	ssettag $0x1  }
0x1: {  	s2 =	rddreg [dreg:$0x0]  }
0x2: {  	s0 =	rddreg [dreg:$0x1]  }
0x3: {  	s3 =	rddreg [dreg:$0x2]  }
0x4: {  	s12 =	stileid.u32;
	s1 =	srdreg.scid  }
0x5: {  	s4 =	simm.s32 $0x0;
	s13 =	simm.s32 $0xD;
	s28 =	simm.s32 $0x4  }
0x6: {  	s30 =	simm.s32 $0x8;
	s31 =	simm.s32 $0x4300;
	s7 =	smul.u32 $0x13C00, s12  }
0x7: {  	s15 =	simm.s32 $0x0;
	s1 =	sand.u32 $0x1, s1;
	s11 =	smul.u32 $0x4F000, s12  }
0x8: {  	[smem:$0x7FF] =	sst s4;
	s5 =	sadd.s32 $0x1400, s0;
	s20 =	smul.u32 $0x2780, s12  }
0x9: {  	s6 =	sadd.s32 $0xB200, s0;
	s21 =	sshll.u32 s12, $0x6;
	s8 =	smul.u32 $0x13C000, s1  }
0xa: {  	_ =	strace $0x80000047;
	s17 =	sshll.u32 s1, $0x4;
	s10 =	ssub.s32 $0x2, s1  }
0xb: {  	s1 =	smul.u32 $0x27800, s1;
	s9 =	sshrl.u32 s7, $0x3;
	s18 =	sshrl.u32 s10, $0x1  }
0xc: {  	s19 =	sshrl.u32 s11, $0x2;
	s11 =	simm.s32 $0xB;
	s7 =	sadd.s32 s7, s8  }
0xd: {  	s16 =	sadd.s32 s9, s0;
	s9 =	sor.u32 s12, s17;
	s1 =	sadd.s32 s20, s1  }
0xe: {  	s7 =	sshrl.u32 s7, $0x3;
	s9 =	smul.u32 $0x2780, s9;
	s8 =	sadd.s32 $0x15000, s16  }
0xf: {  	s23 =	sadd.s32 $0x200, s1;
	s24 =	sadd.s32 $0x80, s1;
	s26 =	sadd.s32 $0x100, s1  }
0x10: {  	s1 =	sadd.s32 $0x180, s1;
	s0 =	sadd.s32 s7, s0;
	s7 =	ssub.s32 s10, s18  }
0x11: {  	s10 =	sadd.s32 s19, s3;
	[dreg:$0x4] =	wrdreg s8;
	s8 =	sor.u32 $0x1C0D, s21  }
0x12: {  	s25 =	sshrl.u32 s24, $0x3;
	[dreg:$0xb] =	wrdreg s1;
	s29 =	sshrl.u32 s26, $0x3  }
0x13: {  	s21 =	simm.s32 $0x80;
	s24 =	simm.s32 $0x300;
	s26 =	simm.s32 $0xA  }
0x14: {  	s9 =	sshrl.u32 s9, $0x3;
	s0 =	sadd.s32 $0x3C800, s0;
	s7 =	smax.u32 s7, $0x1  }
0x15: {  	s16 =	sadd.s32 s25, s6;
	s17 =	sadd.s32 s29, s6;
	[dreg:$0x6] =	wrdreg s8  }
0x16: {  	s18 =	sadd.s32 s29, s5;
	s25 =	simm.s32 $0x1;
	[dreg:$0x9] =	wrdreg s0  }
0x17: {  	s22 =	sadd.s32 s5, s9;
	s9 =	sadd.s32 s6, s9;
	[dreg:$0xa] =	wrdreg s7  }
.Ltmp0:
0x18: {  	s0 =	sshrl.u32 s23, $0x3;
	s23 =	simm.s32 $0x7;
	(pc) =	sbr.rel .LBB2_1-.Ltmp0, $4  }
0x19: {  	s7 =	simm.s32 $0x8300;
	[dreg:$0x5] =	wrdreg s22;
	s12 =	sadd.s32 $0x10, s22  }
0x1a: {  	[dreg:$0x8] =	wrdreg s9;
	s14 =	sadd.s32 s0, s5;
	s9 =	sshrl.u32 s10, $0x3  }
0x1b: {  	s22 =	simm.s32 $0x180;
	s0 =	simm.s32 $0x9;
	[dreg:$0x7] =	wrdreg s12  }
0x1c: {  	s10 =	simm.s32 $0x2;
	s12 =	simm.s32 $0x200;
	[dreg:$0xc] =	wrdreg s9  }
.LBB2_6:
0x1d: {  	_ =	swait.ge [sflag:s25], $0x4000  }
0x1e: {  	[sflag:s25] =	ssyncset.done $0x0  }
0x1f: {  	[sflag:s25] =	ssyncadd.s32 $0xFFFFC000  }
0x20: {  	_ =	swait.ge [sflag:s26], $0x80  }
0x21: {  	[sflag:s26] =	ssyncset.done $0x0  }
0x22: {  	[sflag:s26] =	ssyncadd.s32 $0xFFFFFF80  }
0x23: {  	[spmem:s3] =	stream.indirect.scatter.add.f32 [tilespmem:s24], [sflag:$0x4], $0x80, s22, s21, $0xb8;
	[tilespmem:$0x1FF00] =	vst v63  }
0x24: {  	_ =	swait.ge [sflag:s28], $0x4000  }
0x25: {  	[sflag:s28] =	ssyncset.done $0x0  }
0x26: {  	[sflag:s28] =	ssyncadd.s32 $0xFFFFC000  }
.LBB2_4:
0x27: {  	[bflag:$0x0] =	sbarrier.arrive $0xFFFF  }
0x28: {  	s8 =	rddreg [dreg:$0x6]  }
0x29: {  	s1 =	rddreg [dreg:$0x9]  }
0x2a: {  	s13 =	simm.s32 $0xD;
	s9 =	rddreg [dreg:$0xc]  }
0x2b: {  	[hbm:s1], [sflag:s8] =	dma.local [spmem:s9], $0x2780  }
0x2c: {  	_ =	swait.ge [sflag:s13], $0x2780  }
0x2d: {  	s15 =	rddreg [dreg:$0xd]  }
0x2e: {  	s29 =	rddreg [dreg:$0xa];
	s15 =	sadd.s32 $0x1, s15  }
0x2f: {  	p0 =	sne.s32 s15, s29  }
.Ltmp1:
0x30: {  	_ = 	snop;
	(pc) =	sbr.rel @!p0 .LBB2_5-.Ltmp1, $3  }
0x31: {  	_ =	sdelay $0x1  }
0x32: {  	[sflag:s13] =	ssyncset.done $0x0  }
0x33: {  	[sflag:s13] =	ssyncadd.s32 $0xFFFFD880  }
.LBB2_1:
0x34: {  	[dreg:$0xd] =	wrdreg s15  }
0x35: {  	s1 =	rddreg [dreg:$0x4]  }
0x36: {  	[spmem:s9], [sflag:s8] =	dma.local [hbm:s1], $0x2780  }
0x37: {  	_ =	swait.ge [sflag:s13], $0x2780  }
0x38: {  	[sflag:s13] =	ssyncset.done $0x0  }
0x39: {  	[sflag:s13] =	ssyncadd.s32 $0xFFFFD880  }
0x3a: {  	[bflag:$0x0] =	sbarrier.arrive $0xFFFF  }
0x3b: {  	s19 =	rddreg [dreg:$0x5]  }
0x3c: {  	s20 =	rddreg [dreg:$0x7]  }
0x3d: {  	[tilespmem:s4], [sflag:$0x7] =	stream.linear.gather [hbm4b:s19+s4], $0x80, $0x38;
	[tilespmem:$0x1FF00] =	vst v63  }
0x3e: {  	s9 =	simm.s32 $0x0;
	s29 =	rddreg [dreg:$0x8]  }
0x3f: {  	[tilespmem:s21], [sflag:$0x8] =	stream.linear.gather [hbm4b:s20+s4], $0x80, $0x38;
	[tilespmem:$0x1FF00] =	vst v63  }
0x40: {  	s13 =	simm.s32 $0xFFFFFFFE;
	s15 =	rddreg [dreg:$0xb];
	s19 =	simm.s32 $0x0  }
0x41: {  	[tilespmem:s22], [sflag:$0xA] =	stream.linear.gather [hbm4b:s29+s4], $0x80, $0x38;
	[tilespmem:$0x1FF00] =	vst v63  }
.LBB2_2:
0x42: {  	p0 =	sgt.u32 s13, $0x4E  }
0x43: {  	s20 =	simm.s32 @!p0 $0x5  }
0x44: {  	_ =	swait.ge @!p0 [sflag:s20], $0x4000  }
0x45: {  	[sflag:s20] =	ssyncset.done @!p0 $0x0  }
0x46: {  	[sflag:s20] =	ssyncadd.s32 @!p0 $0xFFFFC000;
	p0 =	seq.s32 s9, $0x4E0  }
0x47: {  	s20 =	sadd.s32 @!p0 s9, s16;
	s8 =	simm.s32 @!p0 $0x0;
	s29 =	simm.s32 @!p0 $0x200  }
0x48: {  	[tilespmem:s29], [sflag:$0xB] =	stream.linear.gather @!p0 [hbm4b:s20+s8], $0x80, $0x38;
	[tilespmem:$0x1FF00] =	vst v63  }
0x49: {  	s29 =	sadd.s32 $0x1, s13;
	_ =	swait.ge [sflag:s23], $0x80  }
0x4a: {  	p1 =	sgt.u32 s29, $0x4E;
	[sflag:s23] =	ssyncset.done $0x0  }
0x4b: {  	s20 =	simm.s32 @!p1 $0x3;
	[sflag:s23] =	ssyncadd.s32 $0xFFFFFF80  }
0x4c: {  	[tilespmem:s24], [sflag:$0x1] =	stream.indirect.gather [hbm4b:s2+s21], $0x80, s4, s21, $0xb8;
	[tilespmem:$0x1FF00] =	vst v63  }
0x4d: {  	_ =	swait.ge @!p1 [sflag:s20], $0x4000  }
0x4e: {  	[sflag:s20] =	ssyncset.done @!p1 $0x0  }
0x4f: {  	[sflag:s20] =	ssyncadd.s32 @!p1 $0xFFFFC000;
	s20 =	simm.s32 @!p1 $0xC  }
0x50: {  	_ =	swait.ge @!p1 [sflag:s20], $0x80  }
0x51: {  	s29 =	simm.s32 @!p1 $0x280;
	[sflag:s20] =	ssyncset.done @!p1 $0x0  }
0x52: {  	s1 =	simm.s32 @!p1 $0x8300;
	[sflag:s20] =	ssyncadd.s32 @!p1 $0xFFFFFF80;
	s20 =	simm.s32 @!p1 $0x80  }
0x53: {  	[spmem:s3] =	stream.indirect.scatter.add.f32 @!p1 [tilespmem:s1], [sflag:$0x6], $0x80, s29, s20, $0xb8;
	[tilespmem:$0x1FF00] =	vst v63  }
0x54: {  	s1 =	sadd.s32 @!p0 s9, s18;
	s20 =	simm.s32 @!p0 $0x100  }
0x55: {  	[tilespmem:s20], [sflag:$0x9] =	stream.linear.gather @!p0 [hbm4b:s1+s8], $0x80, $0x38;
	[tilespmem:$0x1FF00] =	vst v63  }
.Ltmp2:
0x56: {  	_ = 	snop;
	(pc) =	sbr.rel @p0 .LBB2_6-.Ltmp2, $4  }
0x57: {  	s1 =	simm.s32 @!p1 $0x6  }
0x58: {  	_ =	swait.ge @!p1 [sflag:s1], $0x4000  }
0x59: {  	[sflag:s1] =	ssyncset.done @!p1 $0x0  }
0x5a: {  	[sflag:s1] =	ssyncadd.s32 @!p1 $0xFFFFC000  }
0x5b: {  	s1 =	sadd.s32 s9, s17;
	s8 =	simm.s32 $0x280  }
0x5c: {  	[tilespmem:s8], [sflag:$0xC] =	stream.linear.gather [hbm4b:s1+s4], $0x80, $0x38;
	[tilespmem:$0x1FF00] =	vst v63  }
0x5d: {  	_ =	swait.ge [sflag:s30], $0x80  }
0x5e: {  	[sflag:s30] =	ssyncset.done $0x0  }
0x5f: {  	[sflag:s30] =	ssyncadd.s32 $0xFFFFFF80  }
0x60: {  	[tilespmem:s31], [sflag:$0x2] =	stream.indirect.gather [hbm4b:s2+s21], $0x80, s21, s21, $0xb8;
	[tilespmem:$0x1FF00] =	vst v63  }
0x61: {  	_ =	swait.ge [sflag:s25], $0x4000  }
0x62: {  	[sflag:s25] =	ssyncset.done $0x0  }
0x63: {  	[sflag:s25] =	ssyncadd.s32 $0xFFFFC000  }
0x64: {  	_ =	swait.ge [sflag:s26], $0x80  }
0x65: {  	[sflag:s26] =	ssyncset.done $0x0  }
0x66: {  	s29 =	sshrl.u32 s15, $0x3;
	[sflag:s26] =	ssyncadd.s32 $0xFFFFFF80  }
0x67: {  	[spmem:s3] =	stream.indirect.scatter.add.f32 [tilespmem:s24], [sflag:$0x4], $0x80, s22, s21, $0xb8;
	[tilespmem:$0x1FF00] =	vst v63  }
0x68: {  	s20 =	sadd.s32 s5, s29  }
0x69: {  	[tilespmem:s4], [sflag:$0x7] =	stream.linear.gather [hbm4b:s20+s4], $0x80, $0x38;
	[tilespmem:$0x1FF00] =	vst v63  }
0x6a: {  	_ =	swait.ge [sflag:s28], $0x4000  }
0x6b: {  	[sflag:s28] =	ssyncset.done $0x0  }
0x6c: {  	s1 =	sadd.s32 s6, s29;
	[sflag:s28] =	ssyncadd.s32 $0xFFFFC000  }
0x6d: {  	[tilespmem:s22], [sflag:$0xA] =	stream.linear.gather [hbm4b:s1+s4], $0x80, $0x38;
	[tilespmem:$0x1FF00] =	vst v63  }
0x6e: {  	_ =	swait.ge [sflag:s0], $0x80  }
0x6f: {  	[sflag:s0] =	ssyncset.done $0x0  }
0x70: {  	s29 =	simm.s32 $0x100;
	[sflag:s0] =	ssyncadd.s32 $0xFFFFFF80  }
0x71: {  	[tilespmem:s7], [sflag:$0x3] =	stream.indirect.gather [hbm4b:s2+s21], $0x80, s29, s21, $0xb8;
	[tilespmem:$0x1FF00] =	vst v63  }
0x72: {  	_ =	swait.ge [sflag:s10], $0x4000  }
0x73: {  	[sflag:s10] =	ssyncset.done $0x0  }
0x74: {  	[sflag:s10] =	ssyncadd.s32 $0xFFFFC000  }
0x75: {  	_ =	swait.ge [sflag:s11], $0x80  }
0x76: {  	p0 =	slt.u32 s19, $0x19;
	[sflag:s11] =	ssyncset.done $0x0  }
0x77: {  	s8 =	simm.s32 @p0 $0x0;
	[sflag:s11] =	ssyncadd.s32 $0xFFFFFF80  }
0x78: {  	[spmem:s3] =	stream.indirect.scatter.add.f32 [tilespmem:s31], [sflag:$0x5], $0x80, s12, s21, $0xb8;
	[tilespmem:$0x1FF00] =	vst v63  }
0x79: {  	s20 =	simm.s32 @p0 $0x80;
	s1 =	sadd.s32 @p0 s9, s14;
	s9 =	sadd.s32 $0x30, s9  }
0x7a: {  	[tilespmem:s20], [sflag:$0x8] =	stream.linear.gather @p0 [hbm4b:s1+s8], $0x80, $0x38;
	[tilespmem:$0x1FF00] =	vst v63  }
0x7b: {  	p0 =	sne.s32 s9, $0x510  }
.Ltmp3:
0x7c: {  	_ = 	snop;
	(pc) =	sbr.rel @p0 .LBB2_2-.Ltmp3, $4  }
.Ltmp4:
0x7d: {  	_ = 	snop;
	(pc) =	sbr.rel @!p0 .LBB2_4-.Ltmp4, $4  }
0x7e: {  	_ = 	snop  }
0x7f: {  	_ = 	snop  }
0x80: {  	s19 =	sadd.s32 $0x1, s19;
	s15 =	sadd.s32 $0x180, s15;
	s13 =	sadd.s32 $0x3, s13  }
0x81: {  	_ = 	snop  }
.LBB2_5:
0x82: {  	_ =	sfence.sel $0x180000  }
0x83: {  	[bflag:$0x0] =	sbarrier.arrive $0xFFFF  }
0x84: {  	_ =	strace $0x90000047  }
0x85: {  	s0 =	stileid.u32;
	[bflag:$0x2] =	sbarrier.arrive $0xFFFF  }
0x86: {  	p0 =	sne.s32 s0, $0x0;
	s0 =	rddreg [dreg:$0x3]  }
0x87: {  	s0 =	sadd.s32 @!p0 $0x100000, s0  }
0x88: {  	[sflag:s0] =	ssyncadd.tile.s32 @!p0 $0x1;
	_ =	shalt  }
.Lfunc_end2:
_tile_overlayer_lowered:
.L_overlay_start_2:
0x89: {  	(tag) =	ssettag $0x2  }
0x8a: {  	s0 =	rddreg [dreg:$0x0];
	s2 =	stileid.u32  }
0x8b: {  	s1 =	rddreg [dreg:$0x1];
	p0 =	sne.s32 s2, $0x0  }
0x8c: {  	s3 =	rddreg [dreg:$0x2];
	[bflag:$0x3] =	sbarrier.arrive $0xFFFF;
	s2 =	simm.s32 @!p0 $0x1C0D  }
0x8d: {  	[timem:s3], [sflag:s2] =	dma.local @!p0 [hbm:s0], s1  }
0x8e: {  	s0 =	simm.s32 @!p0 $0xD  }
0x8f: {  	_ =	swait.ge @!p0 [sflag:s0], s1  }
0x90: {  	s1 =	ssub.s32 @!p0 $0x0, s1;
	[sflag:s0] =	ssyncset.done @!p0 $0x0  }
0x91: {  	[sflag:s0] =	ssyncadd.s32 @!p0 s1  }
0x92: {  	[bflag:$0x3] =	sbarrier.arrive $0xFFFF  }
0x93: {  	_ =	shalt  }

// kernel: kernel.9.cloned.1.call-start
scs
__scs_entry_jumppad:
0x0: {  	(pc) =	sbr.rel $0x88, $3  }
0x1: {  	(tag) =	ssettag $0x0;
	lr =	simm.s32 $0x1  }
0x2: {  	[smem:$0x3F97] =	sst lr;
	_ =	strace $0xD0000000  }
0x3: {  	_ = 	snop  }
0x4: {  	_ = 	snop  }
0x5: {  	_ = 	snop  }
0x6: {  	_ = 	snop  }
0x7: {  	_ = 	snop  }
__scs_overlays_trampoline_lowered:
0x8: {  	[smem:$0x3FA6] =	sst s0  }
0x9: {  	[smem:$0x3FA7] =	sst s1  }
0xa: {  	[smem:$0x3FA8] =	sst s2  }
0xb: {  	[smem:$0x3FA9] =	sst s3  }
0xc: {  	[smem:$0x3FAA] =	sst s4  }
0xd: {  	[smem:$0x3FAB] =	sst s5  }
0xe: {  	[smem:$0x3FAC] =	sst s6  }
0xf: {  	[smem:$0x3FAD] =	sst s7  }
0x10: {  	[smem:$0x3FAE] =	sst s8  }
0x11: {  	[smem:$0x3FAF] =	sst s9;
	s0 =	simm.s32 @!p0 $0x0  }
0x12: {  	s1 =	sld [smem:$0x3F95];
	s0 =	simm.s32 @p0 $0x1  }
0x13: {  	[smem:$0x3FB0] =	sst s0;
	s0 =	simm.s32 @!p1 $0x0  }
0x14: {  	s2 =	sld [smem:$0x3F94];
	s0 =	simm.s32 @p1 $0x1  }
0x15: {  	[smem:$0x3FB1] =	sst s0;
	s0 =	simm.s32 @!p2 $0x0  }
0x16: {  	s3 =	sld [smem:$0x3FDB];
	s0 =	simm.s32 @p2 $0x1  }
0x17: {  	s4 =	simm.s32 $0x1BF5;
	[smem:$0x3FB3] =	sst s0  }
0x18: {  	s0 =	sld [smem:$0x3F96];
	_ =	swait.ge [sflag:s4], $0x0  }
0x19: {  	s7 =	sld [smem:$0x3F97]  }
0x1a: {  	s8 =	sadd.s32 $0xFFFFE003, lr  }
0x1b: {  	s9 =	sadd.s32 $0xFFFFFEF7, lr;
	s5 =	simm.s32 $0xFFFFFFFF;
	p2 =	slt.u32 s8, $0xFFFFF086  }
0x1c: {  	p1 =	slt.u32 s9, $0xF7A;
	s5 =	simm.s32 @!p2 $0x0  }
0x1d: {  	s5 =	simm.s32 @p1 $0x1;
	p0 =	seq.s32 s7, s2  }
0x1e: {  	s7 =	smul.u32 @!p0 $0xF7A, s2;
	p2 =	seq.s32 @!p0 s5, $0x0  }
0x1f: {  	s9 =	smul.u32 $0xF7A, s1;
	s8 =	simm.s32 @!p0 $0x1BF5;
	p2 =	por !p2, p0  }
0x20: {  	[sflag:s8] =	ssyncset.s32 @!p0 $0xFFFFF086;
	s6 =	sadd.s32 @!p0 s3, s7;
	s7 =	simm.s32 @!p0 $0x108  }
0x21: {  	s3 =	sadd.s32 s3, s9;
	s6 =	sadd.s32 @!p0 $0x88, s6;
	s7 =	simm.s32 @p2 $0x1082  }
0x22: {  	[simem:s7], [sflag:s8] =	dma.local @!p0 [hbm:s6], $0xF7A  }
0x23: {  	s9 =	sor.u32 $0xD0000000, s2;
	s6 =	simm.s32 $0x108;
	_ =	swait.ge @!p0 [sflag:s8], $0x0  }
0x24: {  	s3 =	sadd.s32 $0x88, s3;
	s6 =	simm.s32 @!p1 $0x1082;
	[sflag:s4] =	ssyncset.s32 $0xFFFFF086  }
0x25: {  	[simem:s6], [sflag:s4] =	dma.local [hbm:s3], $0xF7A  }
0x26: {  	[smem:$0x3F97] =	sst s1;
	(tag) =	ssettag s2;
	_ =	strace s9  }
0x27: {  	s1 =	sld [smem:$0x3FA7]  }
0x28: {  	s2 =	sld [smem:$0x3FA8]  }
0x29: {  	s4 =	sld [smem:$0x3FAA]  }
0x2a: {  	p0 =	seq.s32 s5, $0x0;
	s5 =	sld [smem:$0x3FAB]  }
0x2b: {  	s6 =	sld [smem:$0x3FAC]  }
0x2c: {  	s7 =	sld [smem:$0x3FAD]  }
0x2d: {  	s3 =	simm.s32 $0x108;
	s8 =	sld [smem:$0x3FAE]  }
0x2e: {  	s3 =	simm.s32 @!p0 $0x1082;
	s9 =	sld [smem:$0x3FAF]  }
0x2f: {  	lr =	sadd.s32 s0, s3;
	s0 =	sld [smem:$0x3FA6]  }
0x30: {  	s3 =	sld [smem:$0x3FA9]  }
0x31: {  	[smem:$0x3FB2] =	sst s10  }
0x32: {  	s10 =	sld [smem:$0x3FB0];
	_ =	sdelay $0x3  }
0x33: {  	p0 =	seq.s32 s10, $0x1;
	s10 =	sld [smem:$0x3FB2];
	_ =	sdelay $0x3  }
0x34: {  	[smem:$0x3FB2] =	sst s10  }
0x35: {  	s10 =	sld [smem:$0x3FB1];
	_ =	sdelay $0x3  }
0x36: {  	p1 =	seq.s32 s10, $0x1;
	s10 =	sld [smem:$0x3FB2];
	_ =	sdelay $0x3  }
0x37: {  	[smem:$0x3FB2] =	sst s10  }
0x38: {  	s10 =	sld [smem:$0x3FB3]  }
0x39: {  	_ = 	snop;
	(pc) =	sbr.ind lr, $3  }
0x3a: {  	_ = 	snop  }
0x3b: {  	_ = 	snop  }
0x3c: {  	p2 =	seq.s32 s10, $0x1;
	s10 =	sld [smem:$0x3FB2]  }
0x3d: {  	_ =	shalt  }
0x3e: {  	_ =	shalt  }
0x3f: {  	_ =	shalt  }
0x40: {  	_ =	shalt  }
0x41: {  	_ =	shalt  }
0x42: {  	_ =	shalt  }
0x43: {  	_ =	shalt  }
0x44: {  	_ =	shalt  }
0x45: {  	_ =	shalt  }
0x46: {  	_ =	shalt  }
0x47: {  	_ =	shalt  }
0x48: {  	_ =	shalt  }
0x49: {  	_ =	shalt  }
0x4a: {  	_ =	shalt  }
0x4b: {  	_ =	shalt  }
0x4c: {  	_ =	shalt  }
0x4d: {  	_ =	shalt  }
0x4e: {  	_ =	shalt  }
0x4f: {  	_ =	shalt  }
0x50: {  	_ =	shalt  }
0x51: {  	_ =	shalt  }
0x52: {  	_ =	shalt  }
0x53: {  	_ =	shalt  }
0x54: {  	_ =	shalt  }
0x55: {  	_ =	shalt  }
0x56: {  	_ =	shalt  }
0x57: {  	_ =	shalt  }
0x58: {  	_ =	shalt  }
0x59: {  	_ =	shalt  }
0x5a: {  	_ =	shalt  }
0x5b: {  	_ =	shalt  }
0x5c: {  	_ =	shalt  }
0x5d: {  	_ =	shalt  }
0x5e: {  	_ =	shalt  }
0x5f: {  	_ =	shalt  }
0x60: {  	_ =	shalt  }
0x61: {  	_ =	shalt  }
0x62: {  	_ =	shalt  }
0x63: {  	_ =	shalt  }
0x64: {  	_ =	shalt  }
0x65: {  	_ =	shalt  }
0x66: {  	_ =	shalt  }
0x67: {  	_ =	shalt  }
0x68: {  	_ =	shalt  }
0x69: {  	_ =	shalt  }
0x6a: {  	_ =	shalt  }
0x6b: {  	_ =	shalt  }
0x6c: {  	_ =	shalt  }
0x6d: {  	_ =	shalt  }
0x6e: {  	_ =	shalt  }
0x6f: {  	_ =	shalt  }
0x70: {  	_ =	shalt  }
0x71: {  	_ =	shalt  }
0x72: {  	_ =	shalt  }
0x73: {  	_ =	shalt  }
0x74: {  	_ =	shalt  }
0x75: {  	_ =	shalt  }
0x76: {  	_ =	shalt  }
0x77: {  	_ =	shalt  }
0x78: {  	_ =	shalt  }
0x79: {  	_ =	shalt  }
0x7a: {  	_ =	shalt  }
0x7b: {  	_ =	shalt  }
0x7c: {  	_ =	shalt  }
0x7d: {  	_ =	shalt  }
0x7e: {  	_ =	shalt  }
0x7f: {  	_ =	shalt  }
0x80: {  	_ =	shalt  }
0x81: {  	_ =	shalt  }
0x82: {  	_ =	shalt  }
0x83: {  	_ =	shalt  }
0x84: {  	_ =	shalt  }
0x85: {  	_ =	shalt  }
0x86: {  	_ =	shalt  }
0x87: {  	_ =	shalt  }
.Lfunc_end0:
.L_simem_size_0:
called_computation.1_lowered:
.L_overlay_start_0:
0x88: {  	s2 =	sld [smem:$0x3FD9]  }
0x89: {  	s3 =	sld [smem:$0x3FFE];
	_ =	sdelay $0x1  }
0x8a: {  	s1 =	srdreg.scid  }
0x8b: {  	s0 =	sand.u32 $0x1, s1  }
0x8c: {  	s16 =	sshll.u32 s0, $0xA;
	s2 =	sadd.s32 s3, s2  }
0x8d: {  	s2 =	sadd.s32 s2, s16  }
0x8e: {  	[smem:$0x3FBE] =	sst s2  }
0x8f: {  	_ = 	snop  }
0x90: {  	(tm) =	ssettm $0x1  }
0x91: {  	s17 =	sld [smem:$0x3FFB];
	_ =	sdelay $0x3  }
0x92: {  	_ =	strace s17  }
0x93: {  	s2 =	sld [smem:$0x3FFC];
	_ =	sdelay $0x3  }
0x94: {  	_ =	strace s2  }
0x95: {  	s2 =	sld [smem:$0x3FFD];
	_ =	sdelay $0x3  }
0x96: {  	_ =	strace s2  }
0x97: {  	_ =	strace $0x8FFFFFFF  }
0x98: {  	s18 =	sld [smem:$0x3FDB];
	_ =	sdelay $0x1  }
0x99: {  	s19 =	simm.s32 $_scs_section_size  }
0x9a: {  	s4 =	simm.s32 $_size__tile_overlayer_lowered;
	s5 =	simm.s32 $_tile_overlayer_lowered  }
0x9b: {  	s22 =	simm.s32 $0x1BFF;
	s21 =	sshll.u32 s5, $0x1;
	s2 =	sadd.s32 s19, s18  }
0x9c: {  	s6 =	simm.s32 $0x0;
	s20 =	sshll.u32 s4, $0x1;
	s4 =	sadd.s32 s21, s2  }
0x9d: {  	[timem:s6], [sflag:s22] =	dma.local [hbm:s4], s20  }
0x9e: {  	_ =	swait.ge [sflag:s22], s20  }
0x9f: {  	s3 =	ssub.s32 $0x0, s20;
	[sflag:s22] =	ssyncset.done $0x0  }
0xa0: {  	[sflag:s22] =	ssyncadd.s32 s3;
	_ =	sdelay $0x1  }
0xa1: {  	s23 =	simm.s32 $0x1B8B  }
0xa2: {  	_ =	swait.ge [sflag:s23], $0x1  }
0xa3: {  	[sflag:s23] =	ssyncset.done $0x0  }
0xa4: {  	s25 =	simm.s32 $0x1B8E;
	s24 =	sld [smem:$0x3FFE];
	[sflag:s23] =	ssyncadd.s32 $0xFFFFFFFF  }
0xa5: {  	s26 =	simm.s32 $execute0_lowered;
	[smem:$0x3FD2] =	sst s25  }
0xa6: {  	s4 =	sshll.u32 s26, $0x1;
	_ =	strace $0x80000049;
	[dreg:$0x1] =	wrdreg $0xFFFFFFFF  }
0xa7: {  	s28 =	simm.s32 $_size_execute0_lowered;
	s2 =	sadd.s32 s2, s4;
	[dreg:$0x0] =	wrdreg $0x0  }
0xa8: {  	s4 =	sshll.u32 s28, $0x1;
	[dreg:$0x2] =	wrdreg s2  }
0xa9: {  	[dreg:$0x3] =	wrdreg s4  }
0xaa: {  	[dreg:$0x4] =	wrdreg $0xC0  }
0xab: {  	_ =	task [dreg:s6], $0x5FFFF  }
0xac: {  	[dreg:$0x1] =	wrdreg $0xFFFFFFFF  }
0xad: {  	[dreg:$0x0] =	wrdreg $0x60  }
0xae: {  	[dreg:$0x2] =	wrdreg s24  }
0xaf: {  	[dreg:$0x3] =	wrdreg $0xC3000  }
0xb0: {  	[dreg:$0x4] =	wrdreg $0x9  }
0xb1: {  	_ =	task.clear_ibuf [dreg:s6], $0x5FFFF;
	_ =	strace $0x90000049  }
0xb2: {  	s29 =	simm.s32 $0x9;
	_ =	strace $0x8000004B  }
0xb3: {  	_ =	swait.ge [sflag:s29], $0x1  }
0xb4: {  	[sflag:s29] =	ssyncadd.s32 $0xFFFFFFFF  }
0xb5: {  	_ =	strace $0x9000004B  }
0xb6: {  	_ =	sfence  }
0xb7: {  	s30 =	sld [smem:$0x0];
	_ =	sdelay $0x2  }
0xb8: {  	s31 =	sshll.u32 s1, $0xD;
	s1 =	sshrl.u32 s1, $0x2  }
0xb9: {  	s3 =	sand.u32 $0x4000, s31;
	s1 =	sadd.s32 s1, s30  }
0xba: {  	s0 =	sor.u32 s3, s0;
	s1 =	sshll.u32 s1, $0x11  }
0xbb: {  	s0 =	sor.u32 s1, s0  }
0xbc: {  	s0 =	sadd.s32 $0x8F2B, s0  }
0xbd: {  	[sflag:s0] =	ssyncadd.remote.s32 $0x1  }
0xbe: {  	_ =	sfence.sel $0xFFFF  }
0xbf: {  	[dreg:$0x0] =	wrdreg $0xFFFFFFFF;
	(pc) =	sbr.abs _section_cstart, $3  }
0xc0: {  	[dreg:$0x1] =	wrdreg $0xFFFFFFFF  }
0xc1: {  	_ =	task.clear_ibuf [dreg:s6], $0x2FFFF;
	_ =	strace $0x9FFFFFFF  }
0xc2: {  	(tm) =	ssettm $0x7FFFFFFF  }
0xc3: {  	_ =	shalt  }
tec
execute0_lowered:
.L_overlay_start_1:
0x0: {  	(tag) =	ssettag $0x1  }
0x1: {  	s0 =	rddreg [dreg:$0x0]  }
0x2: {  	s2 =	rddreg [dreg:$0x1]  }
0x3: {  	s12 =	stileid.u32;
	s1 =	srdreg.scid;
	s3 =	simm.s32 $0x0  }
0x4: {  	s13 =	simm.s32 $0xD;
	s28 =	simm.s32 $0x4;
	s30 =	simm.s32 $0x8  }
0x5: {  	s31 =	simm.s32 $0x4300;
	s15 =	simm.s32 $0x0;
	s7 =	smul.u32 $0x13C00, s12  }
0x6: {  	s1 =	sand.u32 $0x1, s1;
	[smem:$0x7FF] =	sst s3;
	s11 =	smul.u32 $0x4F000, s12  }
0x7: {  	s4 =	sadd.s32 $0x3C800, s0;
	s5 =	sadd.s32 $0x1400, s0;
	s20 =	smul.u32 $0x2780, s12  }
0x8: {  	s6 =	sadd.s32 $0xB200, s0;
	s21 =	sshll.u32 s12, $0x6;
	s8 =	smul.u32 $0x13C000, s1  }
0x9: {  	_ =	strace $0x8000004A;
	s17 =	sshll.u32 s1, $0x4;
	s10 =	ssub.s32 $0x2, s1  }
0xa: {  	s1 =	smul.u32 $0x27800, s1;
	s9 =	sshrl.u32 s7, $0x3;
	s18 =	sshrl.u32 s10, $0x1  }
0xb: {  	s19 =	sshrl.u32 s11, $0x2;
	s11 =	simm.s32 $0xB;
	s7 =	sadd.s32 s7, s8  }
0xc: {  	s16 =	sadd.s32 s9, s0;
	s9 =	sor.u32 s12, s17;
	s1 =	sadd.s32 s20, s1  }
0xd: {  	s7 =	sshrl.u32 s7, $0x3;
	s9 =	smul.u32 $0x2780, s9;
	s8 =	sadd.s32 $0x15000, s16  }
0xe: {  	s23 =	sadd.s32 $0x200, s1;
	s24 =	sadd.s32 $0x80, s1;
	s26 =	sadd.s32 $0x100, s1  }
0xf: {  	s1 =	sadd.s32 $0x180, s1;
	s0 =	sadd.s32 s7, s0;
	s7 =	ssub.s32 s10, s18  }
0x10: {  	s10 =	sadd.s32 s19, s2;
	[dreg:$0x3] =	wrdreg s8;
	s8 =	sor.u32 $0x1C0D, s21  }
0x11: {  	s25 =	sshrl.u32 s24, $0x3;
	[dreg:$0xa] =	wrdreg s1;
	s29 =	sshrl.u32 s26, $0x3  }
0x12: {  	s21 =	simm.s32 $0x80;
	s24 =	simm.s32 $0x300;
	s26 =	simm.s32 $0xA  }
0x13: {  	s9 =	sshrl.u32 s9, $0x3;
	s0 =	sadd.s32 $0x64000, s0;
	s7 =	smax.u32 s7, $0x1  }
0x14: {  	s16 =	sadd.s32 s25, s6;
	s17 =	sadd.s32 s29, s6;
	[dreg:$0x5] =	wrdreg s8  }
0x15: {  	s18 =	sadd.s32 s29, s5;
	s25 =	simm.s32 $0x1;
	[dreg:$0x8] =	wrdreg s0  }
0x16: {  	s22 =	sadd.s32 s5, s9;
	s9 =	sadd.s32 s6, s9;
	[dreg:$0x9] =	wrdreg s7  }
.Ltmp0:
0x17: {  	s0 =	sshrl.u32 s23, $0x3;
	s23 =	simm.s32 $0x7;
	(pc) =	sbr.rel .LBB2_1-.Ltmp0, $4  }
0x18: {  	s7 =	simm.s32 $0x8300;
	[dreg:$0x4] =	wrdreg s22;
	s12 =	sadd.s32 $0x10, s22  }
0x19: {  	[dreg:$0x7] =	wrdreg s9;
	s14 =	sadd.s32 s0, s5;
	s9 =	sshrl.u32 s10, $0x3  }
0x1a: {  	s22 =	simm.s32 $0x180;
	s0 =	simm.s32 $0x9;
	[dreg:$0x6] =	wrdreg s12  }
0x1b: {  	s10 =	simm.s32 $0x2;
	s12 =	simm.s32 $0x200;
	[dreg:$0xb] =	wrdreg s9  }
.LBB2_6:
0x1c: {  	_ =	swait.ge [sflag:s25], $0x4000  }
0x1d: {  	[sflag:s25] =	ssyncset.done $0x0  }
0x1e: {  	[sflag:s25] =	ssyncadd.s32 $0xFFFFC000  }
0x1f: {  	_ =	swait.ge [sflag:s26], $0x80  }
0x20: {  	[sflag:s26] =	ssyncset.done $0x0  }
0x21: {  	[sflag:s26] =	ssyncadd.s32 $0xFFFFFF80  }
0x22: {  	[spmem:s2] =	stream.indirect.scatter.add.f32 [tilespmem:s24], [sflag:$0x4], $0x80, s22, s21, $0xb8;
	[tilespmem:$0x1FF00] =	vst v63  }
0x23: {  	_ =	swait.ge [sflag:s28], $0x4000  }
0x24: {  	[sflag:s28] =	ssyncset.done $0x0  }
0x25: {  	[sflag:s28] =	ssyncadd.s32 $0xFFFFC000  }
.LBB2_4:
0x26: {  	[bflag:$0x0] =	sbarrier.arrive $0xFFFF  }
0x27: {  	s8 =	rddreg [dreg:$0x5]  }
0x28: {  	s1 =	rddreg [dreg:$0x8]  }
0x29: {  	s13 =	simm.s32 $0xD;
	s9 =	rddreg [dreg:$0xb]  }
0x2a: {  	[hbm:s1], [sflag:s8] =	dma.local [spmem:s9], $0x2780  }
0x2b: {  	_ =	swait.ge [sflag:s13], $0x2780  }
0x2c: {  	s15 =	rddreg [dreg:$0xc]  }
0x2d: {  	s29 =	rddreg [dreg:$0x9];
	s15 =	sadd.s32 $0x1, s15  }
0x2e: {  	p0 =	sne.s32 s15, s29  }
.Ltmp1:
0x2f: {  	_ = 	snop;
	(pc) =	sbr.rel @!p0 .LBB2_5-.Ltmp1, $3  }
0x30: {  	_ =	sdelay $0x1  }
0x31: {  	[sflag:s13] =	ssyncset.done $0x0  }
0x32: {  	[sflag:s13] =	ssyncadd.s32 $0xFFFFD880  }
.LBB2_1:
0x33: {  	[dreg:$0xc] =	wrdreg s15  }
0x34: {  	s1 =	rddreg [dreg:$0x3]  }
0x35: {  	[spmem:s9], [sflag:s8] =	dma.local [hbm:s1], $0x2780  }
0x36: {  	_ =	swait.ge [sflag:s13], $0x2780  }
0x37: {  	[sflag:s13] =	ssyncset.done $0x0  }
0x38: {  	[sflag:s13] =	ssyncadd.s32 $0xFFFFD880  }
0x39: {  	[bflag:$0x0] =	sbarrier.arrive $0xFFFF  }
0x3a: {  	s19 =	rddreg [dreg:$0x4]  }
0x3b: {  	s20 =	rddreg [dreg:$0x6]  }
0x3c: {  	[tilespmem:s3], [sflag:$0x7] =	stream.linear.gather [hbm4b:s19+s3], $0x80, $0x38;
	[tilespmem:$0x1FF00] =	vst v63  }
0x3d: {  	s9 =	simm.s32 $0x0;
	s29 =	rddreg [dreg:$0x7]  }
0x3e: {  	[tilespmem:s21], [sflag:$0x8] =	stream.linear.gather [hbm4b:s20+s3], $0x80, $0x38;
	[tilespmem:$0x1FF00] =	vst v63  }
0x3f: {  	s13 =	simm.s32 $0xFFFFFFFE;
	s15 =	rddreg [dreg:$0xa];
	s19 =	simm.s32 $0x0  }
0x40: {  	[tilespmem:s22], [sflag:$0xA] =	stream.linear.gather [hbm4b:s29+s3], $0x80, $0x38;
	[tilespmem:$0x1FF00] =	vst v63  }
.LBB2_2:
0x41: {  	p0 =	sgt.u32 s13, $0x4E  }
0x42: {  	s20 =	simm.s32 @!p0 $0x5  }
0x43: {  	_ =	swait.ge @!p0 [sflag:s20], $0x4000  }
0x44: {  	[sflag:s20] =	ssyncset.done @!p0 $0x0  }
0x45: {  	[sflag:s20] =	ssyncadd.s32 @!p0 $0xFFFFC000;
	p0 =	seq.s32 s9, $0x4E0  }
0x46: {  	s20 =	sadd.s32 @!p0 s9, s16;
	s8 =	simm.s32 @!p0 $0x0;
	s29 =	simm.s32 @!p0 $0x200  }
0x47: {  	[tilespmem:s29], [sflag:$0xB] =	stream.linear.gather @!p0 [hbm4b:s20+s8], $0x80, $0x38;
	[tilespmem:$0x1FF00] =	vst v63  }
0x48: {  	s29 =	sadd.s32 $0x1, s13;
	_ =	swait.ge [sflag:s23], $0x80  }
0x49: {  	p1 =	sgt.u32 s29, $0x4E;
	[sflag:s23] =	ssyncset.done $0x0  }
0x4a: {  	s20 =	simm.s32 @!p1 $0x3;
	[sflag:s23] =	ssyncadd.s32 $0xFFFFFF80  }
0x4b: {  	[tilespmem:s24], [sflag:$0x1] =	stream.indirect.gather [hbm4b:s4+s21], $0x80, s3, s21, $0xb8;
	[tilespmem:$0x1FF00] =	vst v63  }
0x4c: {  	_ =	swait.ge @!p1 [sflag:s20], $0x4000  }
0x4d: {  	[sflag:s20] =	ssyncset.done @!p1 $0x0  }
0x4e: {  	[sflag:s20] =	ssyncadd.s32 @!p1 $0xFFFFC000;
	s20 =	simm.s32 @!p1 $0xC  }
0x4f: {  	_ =	swait.ge @!p1 [sflag:s20], $0x80  }
0x50: {  	s29 =	simm.s32 @!p1 $0x280;
	[sflag:s20] =	ssyncset.done @!p1 $0x0  }
0x51: {  	s1 =	simm.s32 @!p1 $0x8300;
	[sflag:s20] =	ssyncadd.s32 @!p1 $0xFFFFFF80;
	s20 =	simm.s32 @!p1 $0x80  }
0x52: {  	[spmem:s2] =	stream.indirect.scatter.add.f32 @!p1 [tilespmem:s1], [sflag:$0x6], $0x80, s29, s20, $0xb8;
	[tilespmem:$0x1FF00] =	vst v63  }
0x53: {  	s1 =	sadd.s32 @!p0 s9, s18;
	s20 =	simm.s32 @!p0 $0x100  }
0x54: {  	[tilespmem:s20], [sflag:$0x9] =	stream.linear.gather @!p0 [hbm4b:s1+s8], $0x80, $0x38;
	[tilespmem:$0x1FF00] =	vst v63  }
.Ltmp2:
0x55: {  	_ = 	snop;
	(pc) =	sbr.rel @p0 .LBB2_6-.Ltmp2, $4  }
0x56: {  	s1 =	simm.s32 @!p1 $0x6  }
0x57: {  	_ =	swait.ge @!p1 [sflag:s1], $0x4000  }
0x58: {  	[sflag:s1] =	ssyncset.done @!p1 $0x0  }
0x59: {  	[sflag:s1] =	ssyncadd.s32 @!p1 $0xFFFFC000  }
0x5a: {  	s1 =	sadd.s32 s9, s17;
	s8 =	simm.s32 $0x280  }
0x5b: {  	[tilespmem:s8], [sflag:$0xC] =	stream.linear.gather [hbm4b:s1+s3], $0x80, $0x38;
	[tilespmem:$0x1FF00] =	vst v63  }
0x5c: {  	_ =	swait.ge [sflag:s30], $0x80  }
0x5d: {  	[sflag:s30] =	ssyncset.done $0x0  }
0x5e: {  	[sflag:s30] =	ssyncadd.s32 $0xFFFFFF80  }
0x5f: {  	[tilespmem:s31], [sflag:$0x2] =	stream.indirect.gather [hbm4b:s4+s21], $0x80, s21, s21, $0xb8;
	[tilespmem:$0x1FF00] =	vst v63  }
0x60: {  	_ =	swait.ge [sflag:s25], $0x4000  }
0x61: {  	[sflag:s25] =	ssyncset.done $0x0  }
0x62: {  	[sflag:s25] =	ssyncadd.s32 $0xFFFFC000  }
0x63: {  	_ =	swait.ge [sflag:s26], $0x80  }
0x64: {  	[sflag:s26] =	ssyncset.done $0x0  }
0x65: {  	s29 =	sshrl.u32 s15, $0x3;
	[sflag:s26] =	ssyncadd.s32 $0xFFFFFF80  }
0x66: {  	[spmem:s2] =	stream.indirect.scatter.add.f32 [tilespmem:s24], [sflag:$0x4], $0x80, s22, s21, $0xb8;
	[tilespmem:$0x1FF00] =	vst v63  }
0x67: {  	s20 =	sadd.s32 s5, s29  }
0x68: {  	[tilespmem:s3], [sflag:$0x7] =	stream.linear.gather [hbm4b:s20+s3], $0x80, $0x38;
	[tilespmem:$0x1FF00] =	vst v63  }
0x69: {  	_ =	swait.ge [sflag:s28], $0x4000  }
0x6a: {  	[sflag:s28] =	ssyncset.done $0x0  }
0x6b: {  	s1 =	sadd.s32 s6, s29;
	[sflag:s28] =	ssyncadd.s32 $0xFFFFC000  }
0x6c: {  	[tilespmem:s22], [sflag:$0xA] =	stream.linear.gather [hbm4b:s1+s3], $0x80, $0x38;
	[tilespmem:$0x1FF00] =	vst v63  }
0x6d: {  	_ =	swait.ge [sflag:s0], $0x80  }
0x6e: {  	[sflag:s0] =	ssyncset.done $0x0  }
0x6f: {  	s29 =	simm.s32 $0x100;
	[sflag:s0] =	ssyncadd.s32 $0xFFFFFF80  }
0x70: {  	[tilespmem:s7], [sflag:$0x3] =	stream.indirect.gather [hbm4b:s4+s21], $0x80, s29, s21, $0xb8;
	[tilespmem:$0x1FF00] =	vst v63  }
0x71: {  	_ =	swait.ge [sflag:s10], $0x4000  }
0x72: {  	[sflag:s10] =	ssyncset.done $0x0  }
0x73: {  	[sflag:s10] =	ssyncadd.s32 $0xFFFFC000  }
0x74: {  	_ =	swait.ge [sflag:s11], $0x80  }
0x75: {  	p0 =	slt.u32 s19, $0x19;
	[sflag:s11] =	ssyncset.done $0x0  }
0x76: {  	s8 =	simm.s32 @p0 $0x0;
	[sflag:s11] =	ssyncadd.s32 $0xFFFFFF80  }
0x77: {  	[spmem:s2] =	stream.indirect.scatter.add.f32 [tilespmem:s31], [sflag:$0x5], $0x80, s12, s21, $0xb8;
	[tilespmem:$0x1FF00] =	vst v63  }
0x78: {  	s20 =	simm.s32 @p0 $0x80;
	s1 =	sadd.s32 @p0 s9, s14;
	s9 =	sadd.s32 $0x30, s9  }
0x79: {  	[tilespmem:s20], [sflag:$0x8] =	stream.linear.gather @p0 [hbm4b:s1+s8], $0x80, $0x38;
	[tilespmem:$0x1FF00] =	vst v63  }
0x7a: {  	p0 =	sne.s32 s9, $0x510  }
.Ltmp3:
0x7b: {  	_ = 	snop;
	(pc) =	sbr.rel @p0 .LBB2_2-.Ltmp3, $4  }
.Ltmp4:
0x7c: {  	_ = 	snop;
	(pc) =	sbr.rel @!p0 .LBB2_4-.Ltmp4, $4  }
0x7d: {  	_ = 	snop  }
0x7e: {  	_ = 	snop  }
0x7f: {  	s19 =	sadd.s32 $0x1, s19;
	s15 =	sadd.s32 $0x180, s15;
	s13 =	sadd.s32 $0x3, s13  }
0x80: {  	_ = 	snop  }
.LBB2_5:
0x81: {  	_ =	sfence.sel $0x180000  }
0x82: {  	[bflag:$0x0] =	sbarrier.arrive $0xFFFF  }
0x83: {  	_ =	strace $0x9000004A  }
0x84: {  	s0 =	stileid.u32;
	[bflag:$0x2] =	sbarrier.arrive $0xFFFF  }
0x85: {  	p0 =	sne.s32 s0, $0x0;
	s0 =	rddreg [dreg:$0x2]  }
0x86: {  	s0 =	sadd.s32 @!p0 $0x100000, s0  }
0x87: {  	[sflag:s0] =	ssyncadd.tile.s32 @!p0 $0x1;
	_ =	shalt  }
.Lfunc_end2:
_tile_overlayer_lowered:
.L_overlay_start_2:
0x88: {  	(tag) =	ssettag $0x2  }
0x89: {  	s0 =	rddreg [dreg:$0x0];
	s2 =	stileid.u32  }
0x8a: {  	s1 =	rddreg [dreg:$0x1];
	p0 =	sne.s32 s2, $0x0  }
0x8b: {  	s3 =	rddreg [dreg:$0x2];
	[bflag:$0x3] =	sbarrier.arrive $0xFFFF;
	s2 =	simm.s32 @!p0 $0x1C0D  }
0x8c: {  	[timem:s3], [sflag:s2] =	dma.local @!p0 [hbm:s0], s1  }
0x8d: {  	s0 =	simm.s32 @!p0 $0xD  }
0x8e: {  	_ =	swait.ge @!p0 [sflag:s0], s1  }
0x8f: {  	s1 =	ssub.s32 @!p0 $0x0, s1;
	[sflag:s0] =	ssyncset.done @!p0 $0x0  }
0x90: {  	[sflag:s0] =	ssyncadd.s32 @!p0 s1  }
0x91: {  	[bflag:$0x3] =	sbarrier.arrive $0xFFFF  }
0x92: {  	_ =	shalt  }

</sc_bundles>
